<compile_context>
chip_gen: v7x
topology: tpu7x:2x2x1
jax: 0.10.2.dev20260603
libtpu: 0.0.44.dev20260713+nightly
codegen_flags: <defaults>
</compile_context>

<pallas_src>
import jax
import jax.numpy as jnp
from jax import lax
from jax.experimental import pallas as pl
from jax.experimental.pallas import tpu as pltpu
from jax.experimental.pallas import tpu_sc as plsc

B, N, D = 8, 4096, 1024
CHUNK = 8
NCHUNK = D // CHUNK
NC, NS = 2, 16
NW = NC * NS
TASKS_PER_W = B * NCHUNK // NW
PIECE = 7168
NP = 24
NNZPAD = PIECE * NP


def _body(rows_hbm, cols_hbm, vals_hbm, bt_hbm, out_hbm,
          bloc, accum, ridx, cidx, vbuf, sem0, sem1, semw):
    wid = lax.axis_index("c") * NS + lax.axis_index("s")
    bi = wid // (NCHUNK // TASKS_PER_W)
    cbase = (wid % (NCHUNK // TASKS_PER_W)) * TASKS_PER_W

    zeros16 = jnp.zeros((16,), jnp.float32)
    sems = (sem0, sem1)

    def start_piece(q, bsel):
        off = q * PIECE
        dst = pl.ds(bsel * PIECE, PIECE)
        pltpu.async_copy(rows_hbm.at[bi, pl.ds(off, PIECE)], ridx.at[dst],
                         sems[bsel])
        pltpu.async_copy(cols_hbm.at[bi, pl.ds(off, PIECE)], cidx.at[dst],
                         sems[bsel])
        pltpu.async_copy(vals_hbm.at[bi, pl.ds(off, PIECE)], vbuf.at[dst],
                         sems[bsel])

    def wait_piece(q, bsel):
        off = q * PIECE
        dst = pl.ds(bsel * PIECE, PIECE)
        pltpu.make_async_copy(rows_hbm.at[bi, pl.ds(off, PIECE)], ridx.at[dst],
                              sems[bsel]).wait()
        pltpu.make_async_copy(cols_hbm.at[bi, pl.ds(off, PIECE)], cidx.at[dst],
                              sems[bsel]).wait()
        pltpu.make_async_copy(vals_hbm.at[bi, pl.ds(off, PIECE)], vbuf.at[dst],
                              sems[bsel]).wait()

    def task(t, _):
        c = cbase + t
        pltpu.sync_copy(bt_hbm.at[bi, c], bloc)

        start_piece(0, 0)

        @pl.when(t > 0)
        def _():
            pltpu.make_async_copy(accum, out_hbm.at[bi, c], semw).wait()

        def zero(j, _):
            for u in range(4):
                accum[pl.ds(j * 64 + u * 16, 16)] = zeros16
            return 0
        lax.fori_loop(0, N * CHUNK // 64, zero, 0)

        def outer(i, _):
            for bsel in range(2):
                q = 2 * i + bsel

                @pl.when(q + 1 < NP)
                def _():
                    start_piece(q + 1, 1 - bsel)

                wait_piece(q, bsel)

                base = bsel * PIECE
                r0 = ridx[pl.ds(base, 16)]
                c0 = cidx[pl.ds(base, 16)]
                v0 = vbuf[pl.ds(base, 16)]

                def step(k, carry):
                    rr, cc, v = carry
                    o = base + k * 16 + 16
                    rn = ridx[pl.ds(o, 16)]
                    cn = cidx[pl.ds(o, 16)]
                    vn = vbuf[pl.ds(o, 16)]
                    gs = [plsc.load_gather(bloc, [cc | (d * N)])
                          for d in range(CHUNK)]
                    ps = [g * v for g in gs]
                    for d in range(CHUNK):
                        plsc.addupdate_scatter(accum, [rr | (d * N)], ps[d])
                    return (rn, cn, vn)
                lax.fori_loop(0, PIECE // 16, step, (r0, c0, v0))
            return 0
        lax.fori_loop(0, NP // 2, outer, 0)

        pltpu.async_copy(accum, out_hbm.at[bi, c], semw)
        return 0

    lax.fori_loop(0, TASKS_PER_W, task, 0)
    pltpu.make_async_copy(accum, out_hbm.at[bi, cbase], semw).wait()


@jax.jit
def _spmm(rows, cols, vals, bt):
    mesh = plsc.VectorSubcoreMesh(core_axis_name="c", subcore_axis_name="s",
                                  num_cores=NC, num_subcores=NS)
    f = pl.kernel(
        _body,
        out_type=jax.ShapeDtypeStruct((B, NCHUNK, N * CHUNK), jnp.float32),
        mesh=mesh,
        scratch_types=[
            pltpu.VMEM((N * CHUNK,), jnp.float32),
            pltpu.VMEM((N * CHUNK,), jnp.float32),
            pltpu.VMEM((2 * PIECE + 16,), jnp.int32),
            pltpu.VMEM((2 * PIECE + 16,), jnp.int32),
            pltpu.VMEM((2 * PIECE + 16,), jnp.float32),
            pltpu.SemaphoreType.DMA,
            pltpu.SemaphoreType.DMA,
            pltpu.SemaphoreType.DMA,
        ],
        compiler_params=pltpu.CompilerParams(needs_layout_passes=False),
    )
    return f(rows, cols, vals, bt)


def kernel(indices, values, shape, b):
    nnz = indices.shape[-1]
    rows = indices[:, 0, :].astype(jnp.int32)
    cols = indices[:, 1, :].astype(jnp.int32)
    vals = values.astype(jnp.float32)
    pad = NNZPAD - nnz
    rows = jnp.pad(rows, ((0, 0), (0, pad)))
    cols = jnp.pad(cols, ((0, 0), (0, pad)))
    vals = jnp.pad(vals, ((0, 0), (0, pad)))
    key = (rows & 15) * 16 + ((cols - rows) & 15)
    key = jnp.where(jnp.arange(NNZPAD) < nnz, key, 256)
    order = jnp.argsort(key, axis=-1, stable=True)
    perm = order.reshape(B, 16, NNZPAD // 16).transpose(0, 2, 1) \
                .reshape(B, NNZPAD)
    rows = jnp.take_along_axis(rows, perm, axis=-1)
    cols = jnp.take_along_axis(cols, perm, axis=-1)
    vals = jnp.take_along_axis(vals, perm, axis=-1)
    bt = b.reshape(B, N, NCHUNK, CHUNK).transpose(0, 2, 3, 1) \
         .reshape(B, NCHUNK, CHUNK * N)
    out = _spmm(rows, cols, vals, bt)
    return out.reshape(B, NCHUNK, CHUNK, N).transpose(0, 3, 1, 2) \
              .reshape(B, N, D)

# --- scband reference (transcript-rebuilt; emitter-appended) ---
"""Pipeline reference for scband-special-spmm-28475633173126 (READ-ONLY COPY).

The authoritative reference and input builder live on the scoring server;
editing this copy changes nothing except your own understanding.
"""

import jax, jax.numpy as jnp
import numpy as np

B, NNZ, N, D = 8, 167772, 4096, 1024

def setup_inputs(seed: int = 0) -> dict:
    key = jax.random.key(seed)
    k1, k2, k3 = jax.random.split(key, 3)
    indices = jax.random.randint(k1, (B, 2, NNZ), 0, N).astype(jnp.int64)
    values = jax.random.normal(k2, (B, NNZ), dtype=jnp.float32)
    b = jax.random.normal(k3, (B, N, D), dtype=jnp.float32)
    return {"indices": indices, "values": values, "shape": N, "b": b}

def reference(indices, values, shape, b):
    # Batched sparse (COO) x dense matmul: out[i] = A_i @ b[i]
    # A_i given by indices[i] = [row; col] and values[i], with A_i of size (shape, shape).

    def one_spmm(idx, vals, bi):
        row = idx[0]
        col = idx[1]
        N_rows = bi.shape[0]
        vals = jnp.where((row >= 0) & (row < shape), vals, jnp.zeros((), vals.dtype))
        gathered = jnp.take(bi, col, axis=0) * vals[:, None]
        out = jnp.zeros((N_rows, bi.shape[-1]), dtype=bi.dtype).at[row].add(gathered)
        return out

    return jax.vmap(one_spmm, in_axes=(0, 0, 0))(indices, values, b)

if __name__ == "__main__":
    import jax
    _d = setup_inputs()
    print(jax.jit(kernel)(*tuple(_d.values())))

</pallas_src>

<mosaic_0001>
#map = affine_map<(d0, d1) -> (0, 0)>
#map1 = affine_map<(d0, d1) -> (0, 0, 0)>
module attributes {stable_mosaic.version = 14 : i64} {
  func.func @_body(%arg0: i32, %arg1: i32, %arg2: memref<8x172032xi32, #tpu.memory_space<hbm>>, %arg3: memref<8x172032xi32, #tpu.memory_space<hbm>>, %arg4: memref<8x172032xf32, #tpu.memory_space<hbm>>, %arg5: memref<8x128x32768xf32, #tpu.memory_space<hbm>>, %arg6: memref<8x128x32768xf32, #tpu.memory_space<hbm>>, %arg7: memref<32768xf32, #tpu.memory_space<vmem>>, %arg8: memref<32768xf32, #tpu.memory_space<vmem>>, %arg9: memref<14352xi32, #tpu.memory_space<vmem>>, %arg10: memref<14352xi32, #tpu.memory_space<vmem>>, %arg11: memref<14352xf32, #tpu.memory_space<vmem>>, %arg12: memref<!tpu.dma_semaphore, #tpu.memory_space<semaphore_mem>>, %arg13: memref<!tpu.dma_semaphore, #tpu.memory_space<semaphore_mem>>, %arg14: memref<!tpu.dma_semaphore, #tpu.memory_space<semaphore_mem>>) attributes {dimension_semantics = [#tpu.dimension_semantics<core_parallel>, #tpu.dimension_semantics<subcore_parallel>], iteration_bounds = array<i64: 2, 16>, scalar_prefetch = 0 : i64, scratch_operands = 8 : i64, tpu.core_type = #tpu.core_type<sc_vector_subcore>, window_params = [{transform_indices = #map}, {transform_indices = #map}, {transform_indices = #map}, {transform_indices = #map1}, {transform_indices = #map1}]} {
    %mul3A = arith.constant 16 : i32
    %mul3A_0 = arith.muli %arg0, %mul3A : i32
    %add3A = arith.addi %mul3A_0, %arg1 : i32
    %jit3A = arith.constant 4 : i32
    %div3A = arith.divsi %add3A, %jit3A : i32
    %sign3A = arith.constant 0 : i32
    %sign3A_1 = arith.cmpi sgt, %add3A, %sign3A : i32
    %sign3A_2 = arith.extui %sign3A_1 : i1 to i32
    %sign3A_3 = arith.constant 0 : i32
    %sign3A_4 = arith.cmpi slt, %add3A, %sign3A_3 : i32
    %sign3A_5 = arith.extui %sign3A_4 : i1 to i32
    %sign3A_6 = arith.subi %sign3A_2, %sign3A_5 : i32
    %sign3A_7 = arith.constant 0 : i32
    %sign3A_8 = arith.cmpi sgt, %jit3A, %sign3A_7 : i32
    %sign3A_9 = arith.extui %sign3A_8 : i1 to i32
    %sign3A_10 = arith.constant 0 : i32
    %sign3A_11 = arith.cmpi slt, %jit3A, %sign3A_10 : i32
    %sign3A_12 = arith.extui %sign3A_11 : i1 to i32
    %sign3A_13 = arith.subi %sign3A_9, %sign3A_12 : i32
    %ne3A = arith.cmpi ne, %sign3A_6, %sign3A_13 : i32
    %rem3A = arith.remsi %add3A, %jit3A : i32
    %ne3A_14 = arith.constant 0 : i32
    %ne3A_15 = arith.cmpi ne, %rem3A, %ne3A_14 : i32
    %and3A = arith.andi %ne3A, %ne3A_15 : i1
    %sub3A = arith.constant 1 : i32
    %sub3A_16 = arith.subi %div3A, %sub3A : i32
    %select_n3A = arith.select %and3A, %sub3A_16, %div3A : i32
    %jit3A_17 = arith.constant 4 : i32
    %eq3A = arith.constant 0 : i32
    %eq3A_18 = arith.cmpi eq, %jit3A_17, %eq3A : i32
    %jit3A_19 = arith.constant 1 : i32
    %select_n3A_20 = arith.select %eq3A_18, %jit3A_19, %jit3A_17 : i32
    %rem3A_21 = arith.remsi %add3A, %select_n3A_20 : i32
    %ne3A_22 = arith.constant 0 : i32
    %ne3A_23 = arith.cmpi ne, %rem3A_21, %ne3A_22 : i32
    %lt3A = arith.constant 0 : i32
    %lt3A_24 = arith.cmpi slt, %rem3A_21, %lt3A : i32
    %lt3A_25 = arith.constant 0 : i32
    %lt3A_26 = arith.cmpi slt, %select_n3A_20, %lt3A_25 : i32
    %ne3A_27 = arith.xori %lt3A_24, %lt3A_26 : i1
    %and3A_28 = arith.andi %ne3A_27, %ne3A_23 : i1
    %add3A_29 = arith.addi %rem3A_21, %select_n3A_20 : i32
    %select_n3A_30 = arith.select %and3A_28, %add3A_29, %rem3A_21 : i32
    %mul3A_31 = arith.constant 32 : i32
    %mul3A_32 = arith.muli %select_n3A_30, %mul3A_31 : i32
    %broadcast_in_dim3A = arith.constant 0.000000e+00 : f32
    %broadcast_in_dim3A_33 = vector.broadcast %broadcast_in_dim3A : f32 to vector<16xf32>
    %scan3A = arith.constant 0 : i32
    %scan3A_34 = arith.constant 0 : i32
    %scan3A_35 = arith.constant 32 : i32
    %scan3A_36 = arith.addi %scan3A_34, %scan3A_35 : i32
    %scan3A_37 = arith.constant 1 : i32
    %scan3A_38 = scf.for %scan3A_45 = %scan3A_34 to %scan3A_36 step %scan3A_37 iter_args(%scan3A_46 = %scan3A) -> (i32)  : i32 {
      %add3A_47 = arith.addi %mul3A_32, %scan3A_45 : i32
      "tpu.region"() ({
        %run_scoped3A = tpu.sem_alloc : memref<!tpu.dma_semaphore, #tpu.memory_space<semaphore_mem>>
        %dma_start3A_100 = arith.constant 0 : i32
        %dma_start3A_101 = tpu.memref_slice %arg5[%select_n3A, %add3A_47, %dma_start3A_100] : memref<8x128x32768xf32, #tpu.memory_space<hbm>> -> memref<1x1x32768xf32, #tpu.memory_space<hbm>>
        %dma_start3A_102 = tpu.memref_squeeze %dma_start3A_101 : memref<1x1x32768xf32, #tpu.memory_space<hbm>> -> memref<32768xf32, #tpu.memory_space<hbm>>
        %dma_start3A_103 = arith.constant 0 : i32
        %dma_start3A_104 = tpu.memref_slice %arg5[%select_n3A, %add3A_47, %dma_start3A_103] : memref<8x128x32768xf32, #tpu.memory_space<hbm>> -> memref<1x1x32768xf32, #tpu.memory_space<hbm>>
        %dma_start3A_105 = tpu.memref_squeeze %dma_start3A_104 : memref<1x1x32768xf32, #tpu.memory_space<hbm>> -> memref<32768xf32, #tpu.memory_space<hbm>>
        tpu.enqueue_dma source(%dma_start3A_105 : memref<32768xf32, #tpu.memory_space<hbm>>) target(%arg7 : memref<32768xf32, #tpu.memory_space<vmem>>) target_semaphore(%run_scoped3A : memref<!tpu.dma_semaphore, #tpu.memory_space<semaphore_mem>>)
        %dma_wait3A_106 = arith.constant 0 : i32
        %dma_wait3A_107 = tpu.memref_slice %arg5[%select_n3A, %add3A_47, %dma_wait3A_106] : memref<8x128x32768xf32, #tpu.memory_space<hbm>> -> memref<1x1x32768xf32, #tpu.memory_space<hbm>>
        %dma_wait3A_108 = tpu.memref_squeeze %dma_wait3A_107 : memref<1x1x32768xf32, #tpu.memory_space<hbm>> -> memref<32768xf32, #tpu.memory_space<hbm>>
        %dma_wait3A_109 = arith.constant 0 : i32
        %dma_wait3A_110 = tpu.memref_slice %arg5[%select_n3A, %add3A_47, %dma_wait3A_109] : memref<8x128x32768xf32, #tpu.memory_space<hbm>> -> memref<1x1x32768xf32, #tpu.memory_space<hbm>>
        %dma_wait3A_111 = tpu.memref_squeeze %dma_wait3A_110 : memref<1x1x32768xf32, #tpu.memory_space<hbm>> -> memref<32768xf32, #tpu.memory_space<hbm>>
        tpu.wait_dma2 semaphore(%run_scoped3A : memref<!tpu.dma_semaphore, #tpu.memory_space<semaphore_mem>>) src(%dma_wait3A_111 : memref<32768xf32, #tpu.memory_space<hbm>>) dst(%arg7 : memref<32768xf32, #tpu.memory_space<vmem>>)
        tpu.yield
      }) : () -> ()
      %dma_start3A = arith.constant 0 : i32
      %dma_start3A_48 = tpu.memref_slice %arg9[%dma_start3A] : memref<14352xi32, #tpu.memory_space<vmem>> -> memref<7168xi32, #tpu.memory_space<vmem>>
      %dma_start3A_49 = arith.constant 0 : i32
      %dma_start3A_50 = tpu.memref_slice %arg2[%select_n3A, %dma_start3A_49] : memref<8x172032xi32, #tpu.memory_space<hbm>> -> memref<1x7168xi32, #tpu.memory_space<hbm>>
      %dma_start3A_51 = tpu.memref_squeeze %dma_start3A_50 : memref<1x7168xi32, #tpu.memory_space<hbm>> -> memref<7168xi32, #tpu.memory_space<hbm>>
      %dma_start3A_52 = arith.constant 0 : i32
      %dma_start3A_53 = tpu.memref_slice %arg9[%dma_start3A_52] : memref<14352xi32, #tpu.memory_space<vmem>> -> memref<7168xi32, #tpu.memory_space<vmem>>
      %dma_start3A_54 = arith.constant 0 : i32
      %dma_start3A_55 = tpu.memref_slice %arg2[%select_n3A, %dma_start3A_54] : memref<8x172032xi32, #tpu.memory_space<hbm>> -> memref<1x7168xi32, #tpu.memory_space<hbm>>
      %dma_start3A_56 = tpu.memref_squeeze %dma_start3A_55 : memref<1x7168xi32, #tpu.memory_space<hbm>> -> memref<7168xi32, #tpu.memory_space<hbm>>
      tpu.enqueue_dma source(%dma_start3A_56 : memref<7168xi32, #tpu.memory_space<hbm>>) target(%dma_start3A_53 : memref<7168xi32, #tpu.memory_space<vmem>>) target_semaphore(%arg12 : memref<!tpu.dma_semaphore, #tpu.memory_space<semaphore_mem>>)
      %dma_start3A_57 = arith.constant 0 : i32
      %dma_start3A_58 = tpu.memref_slice %arg10[%dma_start3A_57] : memref<14352xi32, #tpu.memory_space<vmem>> -> memref<7168xi32, #tpu.memory_space<vmem>>
      %dma_start3A_59 = arith.constant 0 : i32
      %dma_start3A_60 = tpu.memref_slice %arg3[%select_n3A, %dma_start3A_59] : memref<8x172032xi32, #tpu.memory_space<hbm>> -> memref<1x7168xi32, #tpu.memory_space<hbm>>
      %dma_start3A_61 = tpu.memref_squeeze %dma_start3A_60 : memref<1x7168xi32, #tpu.memory_space<hbm>> -> memref<7168xi32, #tpu.memory_space<hbm>>
      %dma_start3A_62 = arith.constant 0 : i32
      %dma_start3A_63 = tpu.memref_slice %arg10[%dma_start3A_62] : memref<14352xi32, #tpu.memory_space<vmem>> -> memref<7168xi32, #tpu.memory_space<vmem>>
      %dma_start3A_64 = arith.constant 0 : i32
      %dma_start3A_65 = tpu.memref_slice %arg3[%select_n3A, %dma_start3A_64] : memref<8x172032xi32, #tpu.memory_space<hbm>> -> memref<1x7168xi32, #tpu.memory_space<hbm>>
      %dma_start3A_66 = tpu.memref_squeeze %dma_start3A_65 : memref<1x7168xi32, #tpu.memory_space<hbm>> -> memref<7168xi32, #tpu.memory_space<hbm>>
      tpu.enqueue_dma source(%dma_start3A_66 : memref<7168xi32, #tpu.memory_space<hbm>>) target(%dma_start3A_63 : memref<7168xi32, #tpu.memory_space<vmem>>) target_semaphore(%arg12 : memref<!tpu.dma_semaphore, #tpu.memory_space<semaphore_mem>>)
      %dma_start3A_67 = arith.constant 0 : i32
      %dma_start3A_68 = tpu.memref_slice %arg11[%dma_start3A_67] : memref<14352xf32, #tpu.memory_space<vmem>> -> memref<7168xf32, #tpu.memory_space<vmem>>
      %dma_start3A_69 = arith.constant 0 : i32
      %dma_start3A_70 = tpu.memref_slice %arg4[%select_n3A, %dma_start3A_69] : memref<8x172032xf32, #tpu.memory_space<hbm>> -> memref<1x7168xf32, #tpu.memory_space<hbm>>
      %dma_start3A_71 = tpu.memref_squeeze %dma_start3A_70 : memref<1x7168xf32, #tpu.memory_space<hbm>> -> memref<7168xf32, #tpu.memory_space<hbm>>
      %dma_start3A_72 = arith.constant 0 : i32
      %dma_start3A_73 = tpu.memref_slice %arg11[%dma_start3A_72] : memref<14352xf32, #tpu.memory_space<vmem>> -> memref<7168xf32, #tpu.memory_space<vmem>>
      %dma_start3A_74 = arith.constant 0 : i32
      %dma_start3A_75 = tpu.memref_slice %arg4[%select_n3A, %dma_start3A_74] : memref<8x172032xf32, #tpu.memory_space<hbm>> -> memref<1x7168xf32, #tpu.memory_space<hbm>>
      %dma_start3A_76 = tpu.memref_squeeze %dma_start3A_75 : memref<1x7168xf32, #tpu.memory_space<hbm>> -> memref<7168xf32, #tpu.memory_space<hbm>>
      tpu.enqueue_dma source(%dma_start3A_76 : memref<7168xf32, #tpu.memory_space<hbm>>) target(%dma_start3A_73 : memref<7168xf32, #tpu.memory_space<vmem>>) target_semaphore(%arg12 : memref<!tpu.dma_semaphore, #tpu.memory_space<semaphore_mem>>)
      %gt3A = arith.constant 0 : i32
      %gt3A_77 = arith.cmpi sgt, %scan3A_45, %gt3A : i32
      %convert_element_type3A = arith.extui %gt3A_77 : i1 to i32
      %cond3A = arith.constant 0 : i32
      %cond3A_78 = arith.cmpi ne, %convert_element_type3A, %cond3A : i32
      scf.if %cond3A_78 {
        %dma_wait3A_100 = arith.constant 0 : i32
        %dma_wait3A_101 = tpu.memref_slice %arg6[%select_n3A, %add3A_47, %dma_wait3A_100] : memref<8x128x32768xf32, #tpu.memory_space<hbm>> -> memref<1x1x32768xf32, #tpu.memory_space<hbm>>
        %dma_wait3A_102 = tpu.memref_squeeze %dma_wait3A_101 : memref<1x1x32768xf32, #tpu.memory_space<hbm>> -> memref<32768xf32, #tpu.memory_space<hbm>>
        %dma_wait3A_103 = arith.constant 0 : i32
        %dma_wait3A_104 = tpu.memref_slice %arg6[%select_n3A, %add3A_47, %dma_wait3A_103] : memref<8x128x32768xf32, #tpu.memory_space<hbm>> -> memref<1x1x32768xf32, #tpu.memory_space<hbm>>
        %dma_wait3A_105 = tpu.memref_squeeze %dma_wait3A_104 : memref<1x1x32768xf32, #tpu.memory_space<hbm>> -> memref<32768xf32, #tpu.memory_space<hbm>>
        tpu.wait_dma2 semaphore(%arg14 : memref<!tpu.dma_semaphore, #tpu.memory_space<semaphore_mem>>) src(%arg8 : memref<32768xf32, #tpu.memory_space<vmem>>) dst(%dma_wait3A_105 : memref<32768xf32, #tpu.memory_space<hbm>>)
      } else {
      }
      %scan3A_79 = arith.constant 0 : i32
      %scan3A_80 = arith.constant 0 : i32
      %scan3A_81 = arith.constant 512 : i32
      %scan3A_82 = arith.addi %scan3A_80, %scan3A_81 : i32
      %scan3A_83 = arith.constant 1 : i32
      %scan3A_84 = scf.for %scan3A_100 = %scan3A_80 to %scan3A_82 step %scan3A_83 iter_args(%scan3A_101 = %scan3A_79) -> (i32)  : i32 {
        %mul3A_102 = arith.constant 64 : i32
        %mul3A_103 = arith.muli %scan3A_100, %mul3A_102 : i32
        %add3A_104 = arith.constant 0 : i32
        %add3A_105 = arith.addi %mul3A_103, %add3A_104 : i32
        %swap3A = arith.index_cast %add3A_105 : i32 to index
        %swap3A_106 = tpu.vector_load %arg8[%swap3A] {strides = array<i32>} : memref<32768xf32, #tpu.memory_space<vmem>>, vector<16xf32>,
        tpu.vector_store %arg8[%swap3A], %broadcast_in_dim3A_33 {strides = array<i32>} : memref<32768xf32, #tpu.memory_space<vmem>>, vector<16xf32>,
        %mul3A_107 = arith.constant 64 : i32
        %mul3A_108 = arith.muli %scan3A_100, %mul3A_107 : i32
        %add3A_109 = arith.constant 16 : i32
        %add3A_110 = arith.addi %mul3A_108, %add3A_109 : i32
        %swap3A_111 = arith.index_cast %add3A_110 : i32 to index
        %swap3A_112 = tpu.vector_load %arg8[%swap3A_111] {strides = array<i32>} : memref<32768xf32, #tpu.memory_space<vmem>>, vector<16xf32>,
        tpu.vector_store %arg8[%swap3A_111], %broadcast_in_dim3A_33 {strides = array<i32>} : memref<32768xf32, #tpu.memory_space<vmem>>, vector<16xf32>,
        %mul3A_113 = arith.constant 64 : i32
        %mul3A_114 = arith.muli %scan3A_100, %mul3A_113 : i32
        %add3A_115 = arith.constant 32 : i32
        %add3A_116 = arith.addi %mul3A_114, %add3A_115 : i32
        %swap3A_117 = arith.index_cast %add3A_116 : i32 to index
        %swap3A_118 = tpu.vector_load %arg8[%swap3A_117] {strides = array<i32>} : memref<32768xf32, #tpu.memory_space<vmem>>, vector<16xf32>,
        tpu.vector_store %arg8[%swap3A_117], %broadcast_in_dim3A_33 {strides = array<i32>} : memref<32768xf32, #tpu.memory_space<vmem>>, vector<16xf32>,
        %mul3A_119 = arith.constant 64 : i32
        %mul3A_120 = arith.muli %scan3A_100, %mul3A_119 : i32
        %add3A_121 = arith.constant 48 : i32
        %add3A_122 = arith.addi %mul3A_120, %add3A_121 : i32
        %swap3A_123 = arith.index_cast %add3A_122 : i32 to index
        %swap3A_124 = tpu.vector_load %arg8[%swap3A_123] {strides = array<i32>} : memref<32768xf32, #tpu.memory_space<vmem>>, vector<16xf32>,
        tpu.vector_store %arg8[%swap3A_123], %broadcast_in_dim3A_33 {strides = array<i32>} : memref<32768xf32, #tpu.memory_space<vmem>>, vector<16xf32>,
        %scan3A_125 = arith.constant 0 : i32
        scf.yield %scan3A_125 : i32
      }
      %scan3A_85 = arith.constant 512 : i32
      %scan3A_86 = arith.constant 0 : i32
      %scan3A_87 = arith.constant 0 : i32
      %scan3A_88 = arith.constant 12 : i32
      %scan3A_89 = arith.addi %scan3A_87, %scan3A_88 : i32
      %scan3A_90 = arith.constant 1 : i32
      %scan3A_91 = scf.for %scan3A_100 = %scan3A_87 to %scan3A_89 step %scan3A_90 iter_args(%scan3A_101 = %scan3A_86) -> (i32)  : i32 {
        %mul3A_102 = arith.constant 2 : i32
        %mul3A_103 = arith.muli %mul3A_102, %scan3A_100 : i32
        %add3A_104 = arith.constant 0 : i32
        %add3A_105 = arith.addi %mul3A_103, %add3A_104 : i32
        %add3A_106 = arith.constant 1 : i32
        %add3A_107 = arith.addi %add3A_105, %add3A_106 : i32
        %lt3A_108 = arith.constant 24 : i32
        %lt3A_109 = arith.cmpi slt, %add3A_107, %lt3A_108 : i32
        %convert_element_type3A_110 = arith.extui %lt3A_109 : i1 to i32
        %cond3A_111 = arith.constant 0 : i32
        %cond3A_112 = arith.cmpi ne, %convert_element_type3A_110, %cond3A_111 : i32
        scf.if %cond3A_112 {
          %add3A_200 = arith.constant 1 : i32
          %add3A_201 = arith.addi %add3A_105, %add3A_200 : i32
          %mul3A_202 = arith.constant 7168 : i32
          %mul3A_203 = arith.muli %add3A_201, %mul3A_202 : i32
          %dma_start3A_204 = arith.constant 7168 : i32
          %dma_start3A_205 = tpu.memref_slice %arg9[%dma_start3A_204] : memref<14352xi32, #tpu.memory_space<vmem>> -> memref<7168xi32, #tpu.memory_space<vmem>>
          %dma_start3A_206 = tpu.memref_slice %arg2[%select_n3A, %mul3A_203] : memref<8x172032xi32, #tpu.memory_space<hbm>> -> memref<1x7168xi32, #tpu.memory_space<hbm>>
          %dma_start3A_207 = tpu.memref_squeeze %dma_start3A_206 : memref<1x7168xi32, #tpu.memory_space<hbm>> -> memref<7168xi32, #tpu.memory_space<hbm>>
          %dma_start3A_208 = arith.constant 7168 : i32
          %dma_start3A_209 = tpu.memref_slice %arg9[%dma_start3A_208] : memref<14352xi32, #tpu.memory_space<vmem>> -> memref<7168xi32, #tpu.memory_space<vmem>>
          %dma_start3A_210 = tpu.memref_slice %arg2[%select_n3A, %mul3A_203] : memref<8x172032xi32, #tpu.memory_space<hbm>> -> memref<1x7168xi32, #tpu.memory_space<hbm>>
          %dma_start3A_211 = tpu.memref_squeeze %dma_start3A_210 : memref<1x7168xi32, #tpu.memory_space<hbm>> -> memref<7168xi32, #tpu.memory_space<hbm>>
          tpu.enqueue_dma source(%dma_start3A_211 : memref<7168xi32, #tpu.memory_space<hbm>>) target(%dma_start3A_209 : memref<7168xi32, #tpu.memory_space<vmem>>) target_semaphore(%arg13 : memref<!tpu.dma_semaphore, #tpu.memory_space<semaphore_mem>>)
          %dma_start3A_212 = arith.constant 7168 : i32
          %dma_start3A_213 = tpu.memref_slice %arg10[%dma_start3A_212] : memref<14352xi32, #tpu.memory_space<vmem>> -> memref<7168xi32, #tpu.memory_space<vmem>>
          %dma_start3A_214 = tpu.memref_slice %arg3[%select_n3A, %mul3A_203] : memref<8x172032xi32, #tpu.memory_space<hbm>> -> memref<1x7168xi32, #tpu.memory_space<hbm>>
          %dma_start3A_215 = tpu.memref_squeeze %dma_start3A_214 : memref<1x7168xi32, #tpu.memory_space<hbm>> -> memref<7168xi32, #tpu.memory_space<hbm>>
          %dma_start3A_216 = arith.constant 7168 : i32
          %dma_start3A_217 = tpu.memref_slice %arg10[%dma_start3A_216] : memref<14352xi32, #tpu.memory_space<vmem>> -> memref<7168xi32, #tpu.memory_space<vmem>>
          %dma_start3A_218 = tpu.memref_slice %arg3[%select_n3A, %mul3A_203] : memref<8x172032xi32, #tpu.memory_space<hbm>> -> memref<1x7168xi32, #tpu.memory_space<hbm>>
          %dma_start3A_219 = tpu.memref_squeeze %dma_start3A_218 : memref<1x7168xi32, #tpu.memory_space<hbm>> -> memref<7168xi32, #tpu.memory_space<hbm>>
          tpu.enqueue_dma source(%dma_start3A_219 : memref<7168xi32, #tpu.memory_space<hbm>>) target(%dma_start3A_217 : memref<7168xi32, #tpu.memory_space<vmem>>) target_semaphore(%arg13 : memref<!tpu.dma_semaphore, #tpu.memory_space<semaphore_mem>>)
          %dma_start3A_220 = arith.constant 7168 : i32
          %dma_start3A_221 = tpu.memref_slice %arg11[%dma_start3A_220] : memref<14352xf32, #tpu.memory_space<vmem>> -> memref<7168xf32, #tpu.memory_space<vmem>>
          %dma_start3A_222 = tpu.memref_slice %arg4[%select_n3A, %mul3A_203] : memref<8x172032xf32, #tpu.memory_space<hbm>> -> memref<1x7168xf32, #tpu.memory_space<hbm>>
          %dma_start3A_223 = tpu.memref_squeeze %dma_start3A_222 : memref<1x7168xf32, #tpu.memory_space<hbm>> -> memref<7168xf32, #tpu.memory_space<hbm>>
          %dma_start3A_224 = arith.constant 7168 : i32
          %dma_start3A_225 = tpu.memref_slice %arg11[%dma_start3A_224] : memref<14352xf32, #tpu.memory_space<vmem>> -> memref<7168xf32, #tpu.memory_space<vmem>>
          %dma_start3A_226 = tpu.memref_slice %arg4[%select_n3A, %mul3A_203] : memref<8x172032xf32, #tpu.memory_space<hbm>> -> memref<1x7168xf32, #tpu.memory_space<hbm>>
          %dma_start3A_227 = tpu.memref_squeeze %dma_start3A_226 : memref<1x7168xf32, #tpu.memory_space<hbm>> -> memref<7168xf32, #tpu.memory_space<hbm>>
          tpu.enqueue_dma source(%dma_start3A_227 : memref<7168xf32, #tpu.memory_space<hbm>>) target(%dma_start3A_225 : memref<7168xf32, #tpu.memory_space<vmem>>) target_semaphore(%arg13 : memref<!tpu.dma_semaphore, #tpu.memory_space<semaphore_mem>>)
        } else {
        }
        %mul3A_113 = arith.constant 7168 : i32
        %mul3A_114 = arith.muli %add3A_105, %mul3A_113 : i32
        %dma_wait3A_115 = arith.constant 0 : i32
        %dma_wait3A_116 = tpu.memref_slice %arg9[%dma_wait3A_115] : memref<14352xi32, #tpu.memory_space<vmem>> -> memref<7168xi32, #tpu.memory_space<vmem>>
        %dma_wait3A_117 = tpu.memref_slice %arg2[%select_n3A, %mul3A_114] : memref<8x172032xi32, #tpu.memory_space<hbm>> -> memref<1x7168xi32, #tpu.memory_space<hbm>>
        %dma_wait3A_118 = tpu.memref_squeeze %dma_wait3A_117 : memref<1x7168xi32, #tpu.memory_space<hbm>> -> memref<7168xi32, #tpu.memory_space<hbm>>
        %dma_wait3A_119 = arith.constant 0 : i32
        %dma_wait3A_120 = tpu.memref_slice %arg9[%dma_wait3A_119] : memref<14352xi32, #tpu.memory_space<vmem>> -> memref<7168xi32, #tpu.memory_space<vmem>>
        %dma_wait3A_121 = tpu.memref_slice %arg2[%select_n3A, %mul3A_114] : memref<8x172032xi32, #tpu.memory_space<hbm>> -> memref<1x7168xi32, #tpu.memory_space<hbm>>
        %dma_wait3A_122 = tpu.memref_squeeze %dma_wait3A_121 : memref<1x7168xi32, #tpu.memory_space<hbm>> -> memref<7168xi32, #tpu.memory_space<hbm>>
        tpu.wait_dma2 semaphore(%arg12 : memref<!tpu.dma_semaphore, #tpu.memory_space<semaphore_mem>>) src(%dma_wait3A_122 : memref<7168xi32, #tpu.memory_space<hbm>>) dst(%dma_wait3A_120 : memref<7168xi32, #tpu.memory_space<vmem>>)
        %dma_wait3A_123 = arith.constant 0 : i32
        %dma_wait3A_124 = tpu.memref_slice %arg10[%dma_wait3A_123] : memref<14352xi32, #tpu.memory_space<vmem>> -> memref<7168xi32, #tpu.memory_space<vmem>>
        %dma_wait3A_125 = tpu.memref_slice %arg3[%select_n3A, %mul3A_114] : memref<8x172032xi32, #tpu.memory_space<hbm>> -> memref<1x7168xi32, #tpu.memory_space<hbm>>
        %dma_wait3A_126 = tpu.memref_squeeze %dma_wait3A_125 : memref<1x7168xi32, #tpu.memory_space<hbm>> -> memref<7168xi32, #tpu.memory_space<hbm>>
        %dma_wait3A_127 = arith.constant 0 : i32
        %dma_wait3A_128 = tpu.memref_slice %arg10[%dma_wait3A_127] : memref<14352xi32, #tpu.memory_space<vmem>> -> memref<7168xi32, #tpu.memory_space<vmem>>
        %dma_wait3A_129 = tpu.memref_slice %arg3[%select_n3A, %mul3A_114] : memref<8x172032xi32, #tpu.memory_space<hbm>> -> memref<1x7168xi32, #tpu.memory_space<hbm>>
        %dma_wait3A_130 = tpu.memref_squeeze %dma_wait3A_129 : memref<1x7168xi32, #tpu.memory_space<hbm>> -> memref<7168xi32, #tpu.memory_space<hbm>>
        tpu.wait_dma2 semaphore(%arg12 : memref<!tpu.dma_semaphore, #tpu.memory_space<semaphore_mem>>) src(%dma_wait3A_130 : memref<7168xi32, #tpu.memory_space<hbm>>) dst(%dma_wait3A_128 : memref<7168xi32, #tpu.memory_space<vmem>>)
        %dma_wait3A_131 = arith.constant 0 : i32
        %dma_wait3A_132 = tpu.memref_slice %arg11[%dma_wait3A_131] : memref<14352xf32, #tpu.memory_space<vmem>> -> memref<7168xf32, #tpu.memory_space<vmem>>
        %dma_wait3A_133 = tpu.memref_slice %arg4[%select_n3A, %mul3A_114] : memref<8x172032xf32, #tpu.memory_space<hbm>> -> memref<1x7168xf32, #tpu.memory_space<hbm>>
        %dma_wait3A_134 = tpu.memref_squeeze %dma_wait3A_133 : memref<1x7168xf32, #tpu.memory_space<hbm>> -> memref<7168xf32, #tpu.memory_space<hbm>>
        %dma_wait3A_135 = arith.constant 0 : i32
        %dma_wait3A_136 = tpu.memref_slice %arg11[%dma_wait3A_135] : memref<14352xf32, #tpu.memory_space<vmem>> -> memref<7168xf32, #tpu.memory_space<vmem>>
        %dma_wait3A_137 = tpu.memref_slice %arg4[%select_n3A, %mul3A_114] : memref<8x172032xf32, #tpu.memory_space<hbm>> -> memref<1x7168xf32, #tpu.memory_space<hbm>>
        %dma_wait3A_138 = tpu.memref_squeeze %dma_wait3A_137 : memref<1x7168xf32, #tpu.memory_space<hbm>> -> memref<7168xf32, #tpu.memory_space<hbm>>
        tpu.wait_dma2 semaphore(%arg12 : memref<!tpu.dma_semaphore, #tpu.memory_space<semaphore_mem>>) src(%dma_wait3A_138 : memref<7168xf32, #tpu.memory_space<hbm>>) dst(%dma_wait3A_136 : memref<7168xf32, #tpu.memory_space<vmem>>)
        %get3A = arith.constant 0 : index
        %get3A_139 = tpu.vector_load %arg9[%get3A] {strides = array<i32>} : memref<14352xi32, #tpu.memory_space<vmem>>, vector<16xi32>,
        %get3A_140 = arith.constant 0 : index
        %get3A_141 = tpu.vector_load %arg10[%get3A_140] {strides = array<i32>} : memref<14352xi32, #tpu.memory_space<vmem>>, vector<16xi32>,
        %get3A_142 = arith.constant 0 : index
        %get3A_143 = tpu.vector_load %arg11[%get3A_142] {strides = array<i32>} : memref<14352xf32, #tpu.memory_space<vmem>>, vector<16xf32>,
        %scan3A_144 = arith.constant 0 : i32
        %scan3A_145 = arith.constant 448 : i32
        %scan3A_146 = arith.addi %scan3A_144, %scan3A_145 : i32
        %scan3A_147 = arith.constant 1 : i32
        %scan3A_148:3 = scf.for %scan3A_200 = %scan3A_144 to %scan3A_146 step %scan3A_147 iter_args(%scan3A_201 = %get3A_139, %scan3A_202 = %get3A_141, %scan3A_203 = %get3A_143) -> (vector<16xi32>, vector<16xi32>, vector<16xf32>)  : i32 {
          %mul3A_204 = arith.constant 16 : i32
          %mul3A_205 = arith.muli %scan3A_200, %mul3A_204 : i32
          %add3A_206 = arith.constant 0 : i32
          %add3A_207 = arith.addi %add3A_206, %mul3A_205 : i32
          %add3A_208 = arith.constant 16 : i32
          %add3A_209 = arith.addi %add3A_207, %add3A_208 : i32
          %get3A_210 = arith.index_cast %add3A_209 : i32 to index
          %get3A_211 = tpu.vector_load %arg9[%get3A_210] {strides = array<i32>} : memref<14352xi32, #tpu.memory_space<vmem>>, vector<16xi32>,
          %get3A_212 = arith.index_cast %add3A_209 : i32 to index
          %get3A_213 = tpu.vector_load %arg10[%get3A_212] {strides = array<i32>} : memref<14352xi32, #tpu.memory_space<vmem>>, vector<16xi32>,
          %get3A_214 = arith.index_cast %add3A_209 : i32 to index
          %get3A_215 = tpu.vector_load %arg11[%get3A_214] {strides = array<i32>} : memref<14352xf32, #tpu.memory_space<vmem>>, vector<16xf32>,
          %or3A = arith.constant 0 : i32
          %or3A_216 = vector.broadcast %or3A : i32 to vector<16xi32>
          %or3A_217 = arith.ori %scan3A_202, %or3A_216 : vector<16xi32>
          %gather3A = tpu.vector_load_idx %arg7[%or3A_217] : memref<32768xf32, #tpu.memory_space<vmem>>[vector<16xi32>], vector<16xf32>,
          %or3A_218 = arith.constant 4096 : i32
          %or3A_219 = vector.broadcast %or3A_218 : i32 to vector<16xi32>
          %or3A_220 = arith.ori %scan3A_202, %or3A_219 : vector<16xi32>
          %gather3A_221 = tpu.vector_load_idx %arg7[%or3A_220] : memref<32768xf32, #tpu.memory_space<vmem>>[vector<16xi32>], vector<16xf32>,
          %or3A_222 = arith.constant 8192 : i32
          %or3A_223 = vector.broadcast %or3A_222 : i32 to vector<16xi32>
          %or3A_224 = arith.ori %scan3A_202, %or3A_223 : vector<16xi32>
          %gather3A_225 = tpu.vector_load_idx %arg7[%or3A_224] : memref<32768xf32, #tpu.memory_space<vmem>>[vector<16xi32>], vector<16xf32>,
          %or3A_226 = arith.constant 12288 : i32
          %or3A_227 = vector.broadcast %or3A_226 : i32 to vector<16xi32>
          %or3A_228 = arith.ori %scan3A_202, %or3A_227 : vector<16xi32>
          %gather3A_229 = tpu.vector_load_idx %arg7[%or3A_228] : memref<32768xf32, #tpu.memory_space<vmem>>[vector<16xi32>], vector<16xf32>,
          %or3A_230 = arith.constant 16384 : i32
          %or3A_231 = vector.broadcast %or3A_230 : i32 to vector<16xi32>
          %or3A_232 = arith.ori %scan3A_202, %or3A_231 : vector<16xi32>
          %gather3A_233 = tpu.vector_load_idx %arg7[%or3A_232] : memref<32768xf32, #tpu.memory_space<vmem>>[vector<16xi32>], vector<16xf32>,
          %or3A_234 = arith.constant 20480 : i32
          %or3A_235 = vector.broadcast %or3A_234 : i32 to vector<16xi32>
          %or3A_236 = arith.ori %scan3A_202, %or3A_235 : vector<16xi32>
          %gather3A_237 = tpu.vector_load_idx %arg7[%or3A_236] : memref<32768xf32, #tpu.memory_space<vmem>>[vector<16xi32>], vector<16xf32>,
          %or3A_238 = arith.constant 24576 : i32
          %or3A_239 = vector.broadcast %or3A_238 : i32 to vector<16xi32>
          %or3A_240 = arith.ori %scan3A_202, %or3A_239 : vector<16xi32>
          %gather3A_241 = tpu.vector_load_idx %arg7[%or3A_240] : memref<32768xf32, #tpu.memory_space<vmem>>[vector<16xi32>], vector<16xf32>,
          %or3A_242 = arith.constant 28672 : i32
          %or3A_243 = vector.broadcast %or3A_242 : i32 to vector<16xi32>
          %or3A_244 = arith.ori %scan3A_202, %or3A_243 : vector<16xi32>
          %gather3A_245 = tpu.vector_load_idx %arg7[%or3A_244] : memref<32768xf32, #tpu.memory_space<vmem>>[vector<16xi32>], vector<16xf32>,
          %mul3A_246 = arith.mulf %gather3A, %scan3A_203 : vector<16xf32>
          %mul3A_247 = arith.mulf %gather3A_221, %scan3A_203 : vector<16xf32>
          %mul3A_248 = arith.mulf %gather3A_225, %scan3A_203 : vector<16xf32>
          %mul3A_249 = arith.mulf %gather3A_229, %scan3A_203 : vector<16xf32>
          %mul3A_250 = arith.mulf %gather3A_233, %scan3A_203 : vector<16xf32>
          %mul3A_251 = arith.mulf %gather3A_237, %scan3A_203 : vector<16xf32>
          %mul3A_252 = arith.mulf %gather3A_241, %scan3A_203 : vector<16xf32>
          %mul3A_253 = arith.mulf %gather3A_245, %scan3A_203 : vector<16xf32>
          %or3A_254 = arith.constant 0 : i32
          %or3A_255 = vector.broadcast %or3A_254 : i32 to vector<16xi32>
          %or3A_256 = arith.ori %scan3A_201, %or3A_255 : vector<16xi32>
          tpu.vector_store_idx %arg8[%or3A_256], %mul3A_246 {add = true} : memref<32768xf32, #tpu.memory_space<vmem>>[vector<16xi32>], vector<16xf32>,
          %or3A_257 = arith.constant 4096 : i32
          %or3A_258 = vector.broadcast %or3A_257 : i32 to vector<16xi32>
          %or3A_259 = arith.ori %scan3A_201, %or3A_258 : vector<16xi32>
          tpu.vector_store_idx %arg8[%or3A_259], %mul3A_247 {add = true} : memref<32768xf32, #tpu.memory_space<vmem>>[vector<16xi32>], vector<16xf32>,
          %or3A_260 = arith.constant 8192 : i32
          %or3A_261 = vector.broadcast %or3A_260 : i32 to vector<16xi32>
          %or3A_262 = arith.ori %scan3A_201, %or3A_261 : vector<16xi32>
          tpu.vector_store_idx %arg8[%or3A_262], %mul3A_248 {add = true} : memref<32768xf32, #tpu.memory_space<vmem>>[vector<16xi32>], vector<16xf32>,
          %or3A_263 = arith.constant 12288 : i32
          %or3A_264 = vector.broadcast %or3A_263 : i32 to vector<16xi32>
          %or3A_265 = arith.ori %scan3A_201, %or3A_264 : vector<16xi32>
          tpu.vector_store_idx %arg8[%or3A_265], %mul3A_249 {add = true} : memref<32768xf32, #tpu.memory_space<vmem>>[vector<16xi32>], vector<16xf32>,
          %or3A_266 = arith.constant 16384 : i32
          %or3A_267 = vector.broadcast %or3A_266 : i32 to vector<16xi32>
          %or3A_268 = arith.ori %scan3A_201, %or3A_267 : vector<16xi32>
          tpu.vector_store_idx %arg8[%or3A_268], %mul3A_250 {add = true} : memref<32768xf32, #tpu.memory_space<vmem>>[vector<16xi32>], vector<16xf32>,
          %or3A_269 = arith.constant 20480 : i32
          %or3A_270 = vector.broadcast %or3A_269 : i32 to vector<16xi32>
          %or3A_271 = arith.ori %scan3A_201, %or3A_270 : vector<16xi32>
          tpu.vector_store_idx %arg8[%or3A_271], %mul3A_251 {add = true} : memref<32768xf32, #tpu.memory_space<vmem>>[vector<16xi32>], vector<16xf32>,
          %or3A_272 = arith.constant 24576 : i32
          %or3A_273 = vector.broadcast %or3A_272 : i32 to vector<16xi32>
          %or3A_274 = arith.ori %scan3A_201, %or3A_273 : vector<16xi32>
          tpu.vector_store_idx %arg8[%or3A_274], %mul3A_252 {add = true} : memref<32768xf32, #tpu.memory_space<vmem>>[vector<16xi32>], vector<16xf32>,
          %or3A_275 = arith.constant 28672 : i32
          %or3A_276 = vector.broadcast %or3A_275 : i32 to vector<16xi32>
          %or3A_277 = arith.ori %scan3A_201, %or3A_276 : vector<16xi32>
          tpu.vector_store_idx %arg8[%or3A_277], %mul3A_253 {add = true} : memref<32768xf32, #tpu.memory_space<vmem>>[vector<16xi32>], vector<16xf32>,
          scf.yield %get3A_211, %get3A_213, %get3A_215 : vector<16xi32>, vector<16xi32>, vector<16xf32>
        }
        %scan3A_149 = arith.constant 448 : i32
        %mul3A_150 = arith.constant 2 : i32
        %mul3A_151 = arith.muli %mul3A_150, %scan3A_100 : i32
        %add3A_152 = arith.constant 1 : i32
        %add3A_153 = arith.addi %mul3A_151, %add3A_152 : i32
        %add3A_154 = arith.constant 1 : i32
        %add3A_155 = arith.addi %add3A_153, %add3A_154 : i32
        %lt3A_156 = arith.constant 24 : i32
        %lt3A_157 = arith.cmpi slt, %add3A_155, %lt3A_156 : i32
        %convert_element_type3A_158 = arith.extui %lt3A_157 : i1 to i32
        %cond3A_159 = arith.constant 0 : i32
        %cond3A_160 = arith.cmpi ne, %convert_element_type3A_158, %cond3A_159 : i32
        scf.if %cond3A_160 {
          %add3A_200 = arith.constant 1 : i32
          %add3A_201 = arith.addi %add3A_153, %add3A_200 : i32
          %mul3A_202 = arith.constant 7168 : i32
          %mul3A_203 = arith.muli %add3A_201, %mul3A_202 : i32
          %dma_start3A_204 = arith.constant 0 : i32
          %dma_start3A_205 = tpu.memref_slice %arg9[%dma_start3A_204] : memref<14352xi32, #tpu.memory_space<vmem>> -> memref<7168xi32, #tpu.memory_space<vmem>>
          %dma_start3A_206 = tpu.memref_slice %arg2[%select_n3A, %mul3A_203] : memref<8x172032xi32, #tpu.memory_space<hbm>> -> memref<1x7168xi32, #tpu.memory_space<hbm>>
          %dma_start3A_207 = tpu.memref_squeeze %dma_start3A_206 : memref<1x7168xi32, #tpu.memory_space<hbm>> -> memref<7168xi32, #tpu.memory_space<hbm>>
          %dma_start3A_208 = arith.constant 0 : i32
          %dma_start3A_209 = tpu.memref_slice %arg9[%dma_start3A_208] : memref<14352xi32, #tpu.memory_space<vmem>> -> memref<7168xi32, #tpu.memory_space<vmem>>
          %dma_start3A_210 = tpu.memref_slice %arg2[%select_n3A, %mul3A_203] : memref<8x172032xi32, #tpu.memory_space<hbm>> -> memref<1x7168xi32, #tpu.memory_space<hbm>>
          %dma_start3A_211 = tpu.memref_squeeze %dma_start3A_210 : memref<1x7168xi32, #tpu.memory_space<hbm>> -> memref<7168xi32, #tpu.memory_space<hbm>>
          tpu.enqueue_dma source(%dma_start3A_211 : memref<7168xi32, #tpu.memory_space<hbm>>) target(%dma_start3A_209 : memref<7168xi32, #tpu.memory_space<vmem>>) target_semaphore(%arg12 : memref<!tpu.dma_semaphore, #tpu.memory_space<semaphore_mem>>)
          %dma_start3A_212 = arith.constant 0 : i32
          %dma_start3A_213 = tpu.memref_slice %arg10[%dma_start3A_212] : memref<14352xi32, #tpu.memory_space<vmem>> -> memref<7168xi32, #tpu.memory_space<vmem>>
          %dma_start3A_214 = tpu.memref_slice %arg3[%select_n3A, %mul3A_203] : memref<8x172032xi32, #tpu.memory_space<hbm>> -> memref<1x7168xi32, #tpu.memory_space<hbm>>
          %dma_start3A_215 = tpu.memref_squeeze %dma_start3A_214 : memref<1x7168xi32, #tpu.memory_space<hbm>> -> memref<7168xi32, #tpu.memory_space<hbm>>
          %dma_start3A_216 = arith.constant 0 : i32
          %dma_start3A_217 = tpu.memref_slice %arg10[%dma_start3A_216] : memref<14352xi32, #tpu.memory_space<vmem>> -> memref<7168xi32, #tpu.memory_space<vmem>>
          %dma_start3A_218 = tpu.memref_slice %arg3[%select_n3A, %mul3A_203] : memref<8x172032xi32, #tpu.memory_space<hbm>> -> memref<1x7168xi32, #tpu.memory_space<hbm>>
          %dma_start3A_219 = tpu.memref_squeeze %dma_start3A_218 : memref<1x7168xi32, #tpu.memory_space<hbm>> -> memref<7168xi32, #tpu.memory_space<hbm>>
          tpu.enqueue_dma source(%dma_start3A_219 : memref<7168xi32, #tpu.memory_space<hbm>>) target(%dma_start3A_217 : memref<7168xi32, #tpu.memory_space<vmem>>) target_semaphore(%arg12 : memref<!tpu.dma_semaphore, #tpu.memory_space<semaphore_mem>>)
          %dma_start3A_220 = arith.constant 0 : i32
          %dma_start3A_221 = tpu.memref_slice %arg11[%dma_start3A_220] : memref<14352xf32, #tpu.memory_space<vmem>> -> memref<7168xf32, #tpu.memory_space<vmem>>
          %dma_start3A_222 = tpu.memref_slice %arg4[%select_n3A, %mul3A_203] : memref<8x172032xf32, #tpu.memory_space<hbm>> -> memref<1x7168xf32, #tpu.memory_space<hbm>>
          %dma_start3A_223 = tpu.memref_squeeze %dma_start3A_222 : memref<1x7168xf32, #tpu.memory_space<hbm>> -> memref<7168xf32, #tpu.memory_space<hbm>>
          %dma_start3A_224 = arith.constant 0 : i32
          %dma_start3A_225 = tpu.memref_slice %arg11[%dma_start3A_224] : memref<14352xf32, #tpu.memory_space<vmem>> -> memref<7168xf32, #tpu.memory_space<vmem>>
          %dma_start3A_226 = tpu.memref_slice %arg4[%select_n3A, %mul3A_203] : memref<8x172032xf32, #tpu.memory_space<hbm>> -> memref<1x7168xf32, #tpu.memory_space<hbm>>
          %dma_start3A_227 = tpu.memref_squeeze %dma_start3A_226 : memref<1x7168xf32, #tpu.memory_space<hbm>> -> memref<7168xf32, #tpu.memory_space<hbm>>
          tpu.enqueue_dma source(%dma_start3A_227 : memref<7168xf32, #tpu.memory_space<hbm>>) target(%dma_start3A_225 : memref<7168xf32, #tpu.memory_space<vmem>>) target_semaphore(%arg12 : memref<!tpu.dma_semaphore, #tpu.memory_space<semaphore_mem>>)
        } else {
        }
        %mul3A_161 = arith.constant 7168 : i32
        %mul3A_162 = arith.muli %add3A_153, %mul3A_161 : i32
        %dma_wait3A_163 = arith.constant 7168 : i32
        %dma_wait3A_164 = tpu.memref_slice %arg9[%dma_wait3A_163] : memref<14352xi32, #tpu.memory_space<vmem>> -> memref<7168xi32, #tpu.memory_space<vmem>>
        %dma_wait3A_165 = tpu.memref_slice %arg2[%select_n3A, %mul3A_162] : memref<8x172032xi32, #tpu.memory_space<hbm>> -> memref<1x7168xi32, #tpu.memory_space<hbm>>
        %dma_wait3A_166 = tpu.memref_squeeze %dma_wait3A_165 : memref<1x7168xi32, #tpu.memory_space<hbm>> -> memref<7168xi32, #tpu.memory_space<hbm>>
        %dma_wait3A_167 = arith.constant 7168 : i32
        %dma_wait3A_168 = tpu.memref_slice %arg9[%dma_wait3A_167] : memref<14352xi32, #tpu.memory_space<vmem>> -> memref<7168xi32, #tpu.memory_space<vmem>>
        %dma_wait3A_169 = tpu.memref_slice %arg2[%select_n3A, %mul3A_162] : memref<8x172032xi32, #tpu.memory_space<hbm>> -> memref<1x7168xi32, #tpu.memory_space<hbm>>
        %dma_wait3A_170 = tpu.memref_squeeze %dma_wait3A_169 : memref<1x7168xi32, #tpu.memory_space<hbm>> -> memref<7168xi32, #tpu.memory_space<hbm>>
        tpu.wait_dma2 semaphore(%arg13 : memref<!tpu.dma_semaphore, #tpu.memory_space<semaphore_mem>>) src(%dma_wait3A_170 : memref<7168xi32, #tpu.memory_space<hbm>>) dst(%dma_wait3A_168 : memref<7168xi32, #tpu.memory_space<vmem>>)
        %dma_wait3A_171 = arith.constant 7168 : i32
        %dma_wait3A_172 = tpu.memref_slice %arg10[%dma_wait3A_171] : memref<14352xi32, #tpu.memory_space<vmem>> -> memref<7168xi32, #tpu.memory_space<vmem>>
        %dma_wait3A_173 = tpu.memref_slice %arg3[%select_n3A, %mul3A_162] : memref<8x172032xi32, #tpu.memory_space<hbm>> -> memref<1x7168xi32, #tpu.memory_space<hbm>>
        %dma_wait3A_174 = tpu.memref_squeeze %dma_wait3A_173 : memref<1x7168xi32, #tpu.memory_space<hbm>> -> memref<7168xi32, #tpu.memory_space<hbm>>
        %dma_wait3A_175 = arith.constant 7168 : i32
        %dma_wait3A_176 = tpu.memref_slice %arg10[%dma_wait3A_175] : memref<14352xi32, #tpu.memory_space<vmem>> -> memref<7168xi32, #tpu.memory_space<vmem>>
        %dma_wait3A_177 = tpu.memref_slice %arg3[%select_n3A, %mul3A_162] : memref<8x172032xi32, #tpu.memory_space<hbm>> -> memref<1x7168xi32, #tpu.memory_space<hbm>>
        %dma_wait3A_178 = tpu.memref_squeeze %dma_wait3A_177 : memref<1x7168xi32, #tpu.memory_space<hbm>> -> memref<7168xi32, #tpu.memory_space<hbm>>
        tpu.wait_dma2 semaphore(%arg13 : memref<!tpu.dma_semaphore, #tpu.memory_space<semaphore_mem>>) src(%dma_wait3A_178 : memref<7168xi32, #tpu.memory_space<hbm>>) dst(%dma_wait3A_176 : memref<7168xi32, #tpu.memory_space<vmem>>)
        %dma_wait3A_179 = arith.constant 7168 : i32
        %dma_wait3A_180 = tpu.memref_slice %arg11[%dma_wait3A_179] : memref<14352xf32, #tpu.memory_space<vmem>> -> memref<7168xf32, #tpu.memory_space<vmem>>
        %dma_wait3A_181 = tpu.memref_slice %arg4[%select_n3A, %mul3A_162] : memref<8x172032xf32, #tpu.memory_space<hbm>> -> memref<1x7168xf32, #tpu.memory_space<hbm>>
        %dma_wait3A_182 = tpu.memref_squeeze %dma_wait3A_181 : memref<1x7168xf32, #tpu.memory_space<hbm>> -> memref<7168xf32, #tpu.memory_space<hbm>>
        %dma_wait3A_183 = arith.constant 7168 : i32
        %dma_wait3A_184 = tpu.memref_slice %arg11[%dma_wait3A_183] : memref<14352xf32, #tpu.memory_space<vmem>> -> memref<7168xf32, #tpu.memory_space<vmem>>
        %dma_wait3A_185 = tpu.memref_slice %arg4[%select_n3A, %mul3A_162] : memref<8x172032xf32, #tpu.memory_space<hbm>> -> memref<1x7168xf32, #tpu.memory_space<hbm>>
        %dma_wait3A_186 = tpu.memref_squeeze %dma_wait3A_185 : memref<1x7168xf32, #tpu.memory_space<hbm>> -> memref<7168xf32, #tpu.memory_space<hbm>>
        tpu.wait_dma2 semaphore(%arg13 : memref<!tpu.dma_semaphore, #tpu.memory_space<semaphore_mem>>) src(%dma_wait3A_186 : memref<7168xf32, #tpu.memory_space<hbm>>) dst(%dma_wait3A_184 : memref<7168xf32, #tpu.memory_space<vmem>>)
        %get3A_187 = arith.constant 7168 : index
        %get3A_188 = tpu.vector_load %arg9[%get3A_187] {strides = array<i32>} : memref<14352xi32, #tpu.memory_space<vmem>>, vector<16xi32>,
        %get3A_189 = arith.constant 7168 : index
        %get3A_190 = tpu.vector_load %arg10[%get3A_189] {strides = array<i32>} : memref<14352xi32, #tpu.memory_space<vmem>>, vector<16xi32>,
        %get3A_191 = arith.constant 7168 : index
        %get3A_192 = tpu.vector_load %arg11[%get3A_191] {strides = array<i32>} : memref<14352xf32, #tpu.memory_space<vmem>>, vector<16xf32>,
        %scan3A_193 = arith.constant 0 : i32
        %scan3A_194 = arith.constant 448 : i32
        %scan3A_195 = arith.addi %scan3A_193, %scan3A_194 : i32
        %scan3A_196 = arith.constant 1 : i32
        %scan3A_197:3 = scf.for %scan3A_200 = %scan3A_193 to %scan3A_195 step %scan3A_196 iter_args(%scan3A_201 = %get3A_188, %scan3A_202 = %get3A_190, %scan3A_203 = %get3A_192) -> (vector<16xi32>, vector<16xi32>, vector<16xf32>)  : i32 {
          %mul3A_204 = arith.constant 16 : i32
          %mul3A_205 = arith.muli %scan3A_200, %mul3A_204 : i32
          %add3A_206 = arith.constant 7168 : i32
          %add3A_207 = arith.addi %add3A_206, %mul3A_205 : i32
          %add3A_208 = arith.constant 16 : i32
          %add3A_209 = arith.addi %add3A_207, %add3A_208 : i32
          %get3A_210 = arith.index_cast %add3A_209 : i32 to index
          %get3A_211 = tpu.vector_load %arg9[%get3A_210] {strides = array<i32>} : memref<14352xi32, #tpu.memory_space<vmem>>, vector<16xi32>,
          %get3A_212 = arith.index_cast %add3A_209 : i32 to index
          %get3A_213 = tpu.vector_load %arg10[%get3A_212] {strides = array<i32>} : memref<14352xi32, #tpu.memory_space<vmem>>, vector<16xi32>,
          %get3A_214 = arith.index_cast %add3A_209 : i32 to index
          %get3A_215 = tpu.vector_load %arg11[%get3A_214] {strides = array<i32>} : memref<14352xf32, #tpu.memory_space<vmem>>, vector<16xf32>,
          %or3A = arith.constant 0 : i32
          %or3A_216 = vector.broadcast %or3A : i32 to vector<16xi32>
          %or3A_217 = arith.ori %scan3A_202, %or3A_216 : vector<16xi32>
          %gather3A = tpu.vector_load_idx %arg7[%or3A_217] : memref<32768xf32, #tpu.memory_space<vmem>>[vector<16xi32>], vector<16xf32>,
          %or3A_218 = arith.constant 4096 : i32
          %or3A_219 = vector.broadcast %or3A_218 : i32 to vector<16xi32>
          %or3A_220 = arith.ori %scan3A_202, %or3A_219 : vector<16xi32>
          %gather3A_221 = tpu.vector_load_idx %arg7[%or3A_220] : memref<32768xf32, #tpu.memory_space<vmem>>[vector<16xi32>], vector<16xf32>,
          %or3A_222 = arith.constant 8192 : i32
          %or3A_223 = vector.broadcast %or3A_222 : i32 to vector<16xi32>
          %or3A_224 = arith.ori %scan3A_202, %or3A_223 : vector<16xi32>
          %gather3A_225 = tpu.vector_load_idx %arg7[%or3A_224] : memref<32768xf32, #tpu.memory_space<vmem>>[vector<16xi32>], vector<16xf32>,
          %or3A_226 = arith.constant 12288 : i32
          %or3A_227 = vector.broadcast %or3A_226 : i32 to vector<16xi32>
          %or3A_228 = arith.ori %scan3A_202, %or3A_227 : vector<16xi32>
          %gather3A_229 = tpu.vector_load_idx %arg7[%or3A_228] : memref<32768xf32, #tpu.memory_space<vmem>>[vector<16xi32>], vector<16xf32>,
          %or3A_230 = arith.constant 16384 : i32
          %or3A_231 = vector.broadcast %or3A_230 : i32 to vector<16xi32>
          %or3A_232 = arith.ori %scan3A_202, %or3A_231 : vector<16xi32>
          %gather3A_233 = tpu.vector_load_idx %arg7[%or3A_232] : memref<32768xf32, #tpu.memory_space<vmem>>[vector<16xi32>], vector<16xf32>,
          %or3A_234 = arith.constant 20480 : i32
          %or3A_235 = vector.broadcast %or3A_234 : i32 to vector<16xi32>
          %or3A_236 = arith.ori %scan3A_202, %or3A_235 : vector<16xi32>
          %gather3A_237 = tpu.vector_load_idx %arg7[%or3A_236] : memref<32768xf32, #tpu.memory_space<vmem>>[vector<16xi32>], vector<16xf32>,
          %or3A_238 = arith.constant 24576 : i32
          %or3A_239 = vector.broadcast %or3A_238 : i32 to vector<16xi32>
          %or3A_240 = arith.ori %scan3A_202, %or3A_239 : vector<16xi32>
          %gather3A_241 = tpu.vector_load_idx %arg7[%or3A_240] : memref<32768xf32, #tpu.memory_space<vmem>>[vector<16xi32>], vector<16xf32>,
          %or3A_242 = arith.constant 28672 : i32
          %or3A_243 = vector.broadcast %or3A_242 : i32 to vector<16xi32>
          %or3A_244 = arith.ori %scan3A_202, %or3A_243 : vector<16xi32>
          %gather3A_245 = tpu.vector_load_idx %arg7[%or3A_244] : memref<32768xf32, #tpu.memory_space<vmem>>[vector<16xi32>], vector<16xf32>,
          %mul3A_246 = arith.mulf %gather3A, %scan3A_203 : vector<16xf32>
          %mul3A_247 = arith.mulf %gather3A_221, %scan3A_203 : vector<16xf32>
          %mul3A_248 = arith.mulf %gather3A_225, %scan3A_203 : vector<16xf32>
          %mul3A_249 = arith.mulf %gather3A_229, %scan3A_203 : vector<16xf32>
          %mul3A_250 = arith.mulf %gather3A_233, %scan3A_203 : vector<16xf32>
          %mul3A_251 = arith.mulf %gather3A_237, %scan3A_203 : vector<16xf32>
          %mul3A_252 = arith.mulf %gather3A_241, %scan3A_203 : vector<16xf32>
          %mul3A_253 = arith.mulf %gather3A_245, %scan3A_203 : vector<16xf32>
          %or3A_254 = arith.constant 0 : i32
          %or3A_255 = vector.broadcast %or3A_254 : i32 to vector<16xi32>
          %or3A_256 = arith.ori %scan3A_201, %or3A_255 : vector<16xi32>
          tpu.vector_store_idx %arg8[%or3A_256], %mul3A_246 {add = true} : memref<32768xf32, #tpu.memory_space<vmem>>[vector<16xi32>], vector<16xf32>,
          %or3A_257 = arith.constant 4096 : i32
          %or3A_258 = vector.broadcast %or3A_257 : i32 to vector<16xi32>
          %or3A_259 = arith.ori %scan3A_201, %or3A_258 : vector<16xi32>
          tpu.vector_store_idx %arg8[%or3A_259], %mul3A_247 {add = true} : memref<32768xf32, #tpu.memory_space<vmem>>[vector<16xi32>], vector<16xf32>,
          %or3A_260 = arith.constant 8192 : i32
          %or3A_261 = vector.broadcast %or3A_260 : i32 to vector<16xi32>
          %or3A_262 = arith.ori %scan3A_201, %or3A_261 : vector<16xi32>
          tpu.vector_store_idx %arg8[%or3A_262], %mul3A_248 {add = true} : memref<32768xf32, #tpu.memory_space<vmem>>[vector<16xi32>], vector<16xf32>,
          %or3A_263 = arith.constant 12288 : i32
          %or3A_264 = vector.broadcast %or3A_263 : i32 to vector<16xi32>
          %or3A_265 = arith.ori %scan3A_201, %or3A_264 : vector<16xi32>
          tpu.vector_store_idx %arg8[%or3A_265], %mul3A_249 {add = true} : memref<32768xf32, #tpu.memory_space<vmem>>[vector<16xi32>], vector<16xf32>,
          %or3A_266 = arith.constant 16384 : i32
          %or3A_267 = vector.broadcast %or3A_266 : i32 to vector<16xi32>
          %or3A_268 = arith.ori %scan3A_201, %or3A_267 : vector<16xi32>
          tpu.vector_store_idx %arg8[%or3A_268], %mul3A_250 {add = true} : memref<32768xf32, #tpu.memory_space<vmem>>[vector<16xi32>], vector<16xf32>,
          %or3A_269 = arith.constant 20480 : i32
          %or3A_270 = vector.broadcast %or3A_269 : i32 to vector<16xi32>
          %or3A_271 = arith.ori %scan3A_201, %or3A_270 : vector<16xi32>
          tpu.vector_store_idx %arg8[%or3A_271], %mul3A_251 {add = true} : memref<32768xf32, #tpu.memory_space<vmem>>[vector<16xi32>], vector<16xf32>,
          %or3A_272 = arith.constant 24576 : i32
          %or3A_273 = vector.broadcast %or3A_272 : i32 to vector<16xi32>
          %or3A_274 = arith.ori %scan3A_201, %or3A_273 : vector<16xi32>
          tpu.vector_store_idx %arg8[%or3A_274], %mul3A_252 {add = true} : memref<32768xf32, #tpu.memory_space<vmem>>[vector<16xi32>], vector<16xf32>,
          %or3A_275 = arith.constant 28672 : i32
          %or3A_276 = vector.broadcast %or3A_275 : i32 to vector<16xi32>
          %or3A_277 = arith.ori %scan3A_201, %or3A_276 : vector<16xi32>
          tpu.vector_store_idx %arg8[%or3A_277], %mul3A_253 {add = true} : memref<32768xf32, #tpu.memory_space<vmem>>[vector<16xi32>], vector<16xf32>,
          scf.yield %get3A_211, %get3A_213, %get3A_215 : vector<16xi32>, vector<16xi32>, vector<16xf32>
        }
        %scan3A_198 = arith.constant 448 : i32
        %scan3A_199 = arith.constant 0 : i32
        scf.yield %scan3A_199 : i32
      }
      %scan3A_92 = arith.constant 12 : i32
      %dma_start3A_93 = arith.constant 0 : i32
      %dma_start3A_94 = tpu.memref_slice %arg6[%select_n3A, %add3A_47, %dma_start3A_93] : memref<8x128x32768xf32, #tpu.memory_space<hbm>> -> memref<1x1x32768xf32, #tpu.memory_space<hbm>>
      %dma_start3A_95 = tpu.memref_squeeze %dma_start3A_94 : memref<1x1x32768xf32, #tpu.memory_space<hbm>> -> memref<32768xf32, #tpu.memory_space<hbm>>
      %dma_start3A_96 = arith.constant 0 : i32
      %dma_start3A_97 = tpu.memref_slice %arg6[%select_n3A, %add3A_47, %dma_start3A_96] : memref<8x128x32768xf32, #tpu.memory_space<hbm>> -> memref<1x1x32768xf32, #tpu.memory_space<hbm>>
      %dma_start3A_98 = tpu.memref_squeeze %dma_start3A_97 : memref<1x1x32768xf32, #tpu.memory_space<hbm>> -> memref<32768xf32, #tpu.memory_space<hbm>>
      tpu.enqueue_dma source(%arg8 : memref<32768xf32, #tpu.memory_space<vmem>>) target(%dma_start3A_98 : memref<32768xf32, #tpu.memory_space<hbm>>) target_semaphore(%arg14 : memref<!tpu.dma_semaphore, #tpu.memory_space<semaphore_mem>>)
      %scan3A_99 = arith.constant 0 : i32
      scf.yield %scan3A_99 : i32
    }
    %scan3A_39 = arith.constant 32 : i32
    %dma_wait3A = arith.constant 0 : i32
    %dma_wait3A_40 = tpu.memref_slice %arg6[%select_n3A, %mul3A_32, %dma_wait3A] : memref<8x128x32768xf32, #tpu.memory_space<hbm>> -> memref<1x1x32768xf32, #tpu.memory_space<hbm>>
    %dma_wait3A_41 = tpu.memref_squeeze %dma_wait3A_40 : memref<1x1x32768xf32, #tpu.memory_space<hbm>> -> memref<32768xf32, #tpu.memory_space<hbm>>
    %dma_wait3A_42 = arith.constant 0 : i32
    %dma_wait3A_43 = tpu.memref_slice %arg6[%select_n3A, %mul3A_32, %dma_wait3A_42] : memref<8x128x32768xf32, #tpu.memory_space<hbm>> -> memref<1x1x32768xf32, #tpu.memory_space<hbm>>
    %dma_wait3A_44 = tpu.memref_squeeze %dma_wait3A_43 : memref<1x1x32768xf32, #tpu.memory_space<hbm>> -> memref<32768xf32, #tpu.memory_space<hbm>>
    tpu.wait_dma2 semaphore(%arg14 : memref<!tpu.dma_semaphore, #tpu.memory_space<semaphore_mem>>) src(%arg8 : memref<32768xf32, #tpu.memory_space<vmem>>) dst(%dma_wait3A_44 : memref<32768xf32, #tpu.memory_space<hbm>>)
    return
  }
}

</mosaic_0001>

<sc_bundles>
// kernel: _spmm.3.cloned.1.call-start
scs
__scs_entry_jumppad:
0x0: {  	(pc) =	sbr.rel $0x88, $3  }
0x1: {  	(tag) =	ssettag $0x0;
	lr =	simm.s32 $0x1  }
0x2: {  	[smem:$0x3F9D] =	sst lr;
	_ =	strace $0xD0000000  }
0x3: {  	_ = 	snop  }
0x4: {  	_ = 	snop  }
0x5: {  	_ = 	snop  }
0x6: {  	_ = 	snop  }
0x7: {  	_ = 	snop  }
__scs_overlays_trampoline_lowered:
0x8: {  	[smem:$0x3FAC] =	sst s0  }
0x9: {  	[smem:$0x3FAD] =	sst s1  }
0xa: {  	[smem:$0x3FAE] =	sst s2  }
0xb: {  	[smem:$0x3FAF] =	sst s3  }
0xc: {  	[smem:$0x3FB0] =	sst s4  }
0xd: {  	[smem:$0x3FB1] =	sst s5  }
0xe: {  	[smem:$0x3FB2] =	sst s6  }
0xf: {  	[smem:$0x3FB3] =	sst s7  }
0x10: {  	[smem:$0x3FB4] =	sst s8  }
0x11: {  	[smem:$0x3FB5] =	sst s9;
	s0 =	simm.s32 @!p0 $0x0  }
0x12: {  	s1 =	sld [smem:$0x3F9B];
	s0 =	simm.s32 @p0 $0x1  }
0x13: {  	[smem:$0x3FB6] =	sst s0;
	s0 =	simm.s32 @!p1 $0x0  }
0x14: {  	s2 =	sld [smem:$0x3F9A];
	s0 =	simm.s32 @p1 $0x1  }
0x15: {  	[smem:$0x3FB7] =	sst s0;
	s0 =	simm.s32 @!p2 $0x0  }
0x16: {  	s3 =	sld [smem:$0x3FDB];
	s0 =	simm.s32 @p2 $0x1  }
0x17: {  	s4 =	simm.s32 $0x1BF5;
	[smem:$0x3FB9] =	sst s0  }
0x18: {  	s0 =	sld [smem:$0x3F9C];
	_ =	swait.ge [sflag:s4], $0x0  }
0x19: {  	s7 =	sld [smem:$0x3F9D]  }
0x1a: {  	s8 =	sadd.s32 $0xFFFFE003, lr  }
0x1b: {  	s9 =	sadd.s32 $0xFFFFFEF7, lr;
	s5 =	simm.s32 $0xFFFFFFFF;
	p2 =	slt.u32 s8, $0xFFFFF086  }
0x1c: {  	p1 =	slt.u32 s9, $0xF7A;
	s5 =	simm.s32 @!p2 $0x0  }
0x1d: {  	s5 =	simm.s32 @p1 $0x1;
	p0 =	seq.s32 s7, s2  }
0x1e: {  	s7 =	smul.u32 @!p0 $0xF7A, s2;
	p2 =	seq.s32 @!p0 s5, $0x0  }
0x1f: {  	s9 =	smul.u32 $0xF7A, s1;
	s8 =	simm.s32 @!p0 $0x1BF5;
	p2 =	por !p2, p0  }
0x20: {  	[sflag:s8] =	ssyncset.s32 @!p0 $0xFFFFF086;
	s6 =	sadd.s32 @!p0 s3, s7;
	s7 =	simm.s32 @!p0 $0x108  }
0x21: {  	s3 =	sadd.s32 s3, s9;
	s6 =	sadd.s32 @!p0 $0x88, s6;
	s7 =	simm.s32 @p2 $0x1082  }
0x22: {  	[simem:s7], [sflag:s8] =	dma.local @!p0 [hbm:s6], $0xF7A  }
0x23: {  	s9 =	sor.u32 $0xD0000000, s2;
	s6 =	simm.s32 $0x108;
	_ =	swait.ge @!p0 [sflag:s8], $0x0  }
0x24: {  	s3 =	sadd.s32 $0x88, s3;
	s6 =	simm.s32 @!p1 $0x1082;
	[sflag:s4] =	ssyncset.s32 $0xFFFFF086  }
0x25: {  	[simem:s6], [sflag:s4] =	dma.local [hbm:s3], $0xF7A  }
0x26: {  	[smem:$0x3F9D] =	sst s1;
	(tag) =	ssettag s2;
	_ =	strace s9  }
0x27: {  	s1 =	sld [smem:$0x3FAD]  }
0x28: {  	s2 =	sld [smem:$0x3FAE]  }
0x29: {  	s4 =	sld [smem:$0x3FB0]  }
0x2a: {  	p0 =	seq.s32 s5, $0x0;
	s5 =	sld [smem:$0x3FB1]  }
0x2b: {  	s6 =	sld [smem:$0x3FB2]  }
0x2c: {  	s7 =	sld [smem:$0x3FB3]  }
0x2d: {  	s3 =	simm.s32 $0x108;
	s8 =	sld [smem:$0x3FB4]  }
0x2e: {  	s3 =	simm.s32 @!p0 $0x1082;
	s9 =	sld [smem:$0x3FB5]  }
0x2f: {  	lr =	sadd.s32 s0, s3;
	s0 =	sld [smem:$0x3FAC]  }
0x30: {  	s3 =	sld [smem:$0x3FAF]  }
0x31: {  	[smem:$0x3FB8] =	sst s10  }
0x32: {  	s10 =	sld [smem:$0x3FB6];
	_ =	sdelay $0x3  }
0x33: {  	p0 =	seq.s32 s10, $0x1;
	s10 =	sld [smem:$0x3FB8];
	_ =	sdelay $0x3  }
0x34: {  	[smem:$0x3FB8] =	sst s10  }
0x35: {  	s10 =	sld [smem:$0x3FB7];
	_ =	sdelay $0x3  }
0x36: {  	p1 =	seq.s32 s10, $0x1;
	s10 =	sld [smem:$0x3FB8];
	_ =	sdelay $0x3  }
0x37: {  	[smem:$0x3FB8] =	sst s10  }
0x38: {  	s10 =	sld [smem:$0x3FB9]  }
0x39: {  	_ = 	snop;
	(pc) =	sbr.ind lr, $3  }
0x3a: {  	_ = 	snop  }
0x3b: {  	_ = 	snop  }
0x3c: {  	p2 =	seq.s32 s10, $0x1;
	s10 =	sld [smem:$0x3FB8]  }
0x3d: {  	_ =	shalt  }
0x3e: {  	_ =	shalt  }
0x3f: {  	_ =	shalt  }
0x40: {  	_ =	shalt  }
0x41: {  	_ =	shalt  }
0x42: {  	_ =	shalt  }
0x43: {  	_ =	shalt  }
0x44: {  	_ =	shalt  }
0x45: {  	_ =	shalt  }
0x46: {  	_ =	shalt  }
0x47: {  	_ =	shalt  }
0x48: {  	_ =	shalt  }
0x49: {  	_ =	shalt  }
0x4a: {  	_ =	shalt  }
0x4b: {  	_ =	shalt  }
0x4c: {  	_ =	shalt  }
0x4d: {  	_ =	shalt  }
0x4e: {  	_ =	shalt  }
0x4f: {  	_ =	shalt  }
0x50: {  	_ =	shalt  }
0x51: {  	_ =	shalt  }
0x52: {  	_ =	shalt  }
0x53: {  	_ =	shalt  }
0x54: {  	_ =	shalt  }
0x55: {  	_ =	shalt  }
0x56: {  	_ =	shalt  }
0x57: {  	_ =	shalt  }
0x58: {  	_ =	shalt  }
0x59: {  	_ =	shalt  }
0x5a: {  	_ =	shalt  }
0x5b: {  	_ =	shalt  }
0x5c: {  	_ =	shalt  }
0x5d: {  	_ =	shalt  }
0x5e: {  	_ =	shalt  }
0x5f: {  	_ =	shalt  }
0x60: {  	_ =	shalt  }
0x61: {  	_ =	shalt  }
0x62: {  	_ =	shalt  }
0x63: {  	_ =	shalt  }
0x64: {  	_ =	shalt  }
0x65: {  	_ =	shalt  }
0x66: {  	_ =	shalt  }
0x67: {  	_ =	shalt  }
0x68: {  	_ =	shalt  }
0x69: {  	_ =	shalt  }
0x6a: {  	_ =	shalt  }
0x6b: {  	_ =	shalt  }
0x6c: {  	_ =	shalt  }
0x6d: {  	_ =	shalt  }
0x6e: {  	_ =	shalt  }
0x6f: {  	_ =	shalt  }
0x70: {  	_ =	shalt  }
0x71: {  	_ =	shalt  }
0x72: {  	_ =	shalt  }
0x73: {  	_ =	shalt  }
0x74: {  	_ =	shalt  }
0x75: {  	_ =	shalt  }
0x76: {  	_ =	shalt  }
0x77: {  	_ =	shalt  }
0x78: {  	_ =	shalt  }
0x79: {  	_ =	shalt  }
0x7a: {  	_ =	shalt  }
0x7b: {  	_ =	shalt  }
0x7c: {  	_ =	shalt  }
0x7d: {  	_ =	shalt  }
0x7e: {  	_ =	shalt  }
0x7f: {  	_ =	shalt  }
0x80: {  	_ =	shalt  }
0x81: {  	_ =	shalt  }
0x82: {  	_ =	shalt  }
0x83: {  	_ =	shalt  }
0x84: {  	_ =	shalt  }
0x85: {  	_ =	shalt  }
0x86: {  	_ =	shalt  }
0x87: {  	_ =	shalt  }
.Lfunc_end0:
.L_simem_size_0:
called_computation_lowered:
.L_overlay_start_0:
0x88: {  	s2 =	sld [smem:$0x3FD9]  }
0x89: {  	s3 =	sld [smem:$0x3FFE];
	_ =	sdelay $0x1  }
0x8a: {  	s1 =	srdreg.scid  }
0x8b: {  	s0 =	sand.u32 $0x1, s1  }
0x8c: {  	s18 =	sshll.u32 s0, $0xA;
	s2 =	sadd.s32 s3, s2  }
0x8d: {  	s2 =	sadd.s32 s2, s18  }
0x8e: {  	[smem:$0x3FC4] =	sst s2  }
0x8f: {  	_ = 	snop  }
0x90: {  	s2 =	sld [smem:$0x3FC9]  }
0x91: {  	s19 =	sld [smem:$0x3FC8]  }
0x92: {  	s4 =	sld [smem:$0x3FC7]  }
0x93: {  	s5 =	sld [smem:$0x3FC6]  }
0x94: {  	s6 =	sld [smem:$0x3FD0];
	(tm) =	ssettm $0x1  }
0x95: {  	s7 =	sld [smem:$0x3FFB];
	_ =	sdelay $0x3  }
0x96: {  	_ =	strace s7  }
0x97: {  	s7 =	sld [smem:$0x3FFC];
	_ =	sdelay $0x3  }
0x98: {  	_ =	strace s7  }
0x99: {  	s7 =	sld [smem:$0x3FFD];
	_ =	sdelay $0x3  }
0x9a: {  	_ =	strace s7  }
0x9b: {  	_ =	strace $0x8FFFFFFF  }
0x9c: {  	s20 =	sld [smem:$0x3FDB];
	_ =	sdelay $0x1  }
0x9d: {  	s8 =	simm.s32 $_scs_section_size  }
0x9e: {  	s9 =	simm.s32 $_size__tile_overlayer_lowered;
	s10 =	simm.s32 $_tile_overlayer_lowered  }
0x9f: {  	s23 =	simm.s32 $0x1BFF;
	s22 =	sshll.u32 s10, $0x1;
	s7 =	sadd.s32 s8, s20  }
0xa0: {  	s11 =	simm.s32 $0x0;
	s21 =	sshll.u32 s9, $0x1;
	s9 =	sadd.s32 s22, s7  }
0xa1: {  	[timem:s11], [sflag:s23] =	dma.local [hbm:s9], s21  }
0xa2: {  	_ =	swait.ge [sflag:s23], s21  }
0xa3: {  	s8 =	ssub.s32 $0x0, s21;
	[sflag:s23] =	ssyncset.done $0x0  }
0xa4: {  	[sflag:s23] =	ssyncadd.s32 s8;
	_ =	sdelay $0x1  }
0xa5: {  	s24 =	simm.s32 $0x1B8B  }
0xa6: {  	_ =	swait.ge [sflag:s24], $0x1  }
0xa7: {  	[sflag:s24] =	ssyncset.done $0x0  }
0xa8: {  	s25 =	simm.s32 $0x1B8E;
	[sflag:s24] =	ssyncadd.s32 $0xFFFFFFFF  }
0xa9: {  	s26 =	simm.s32 $execute0_lowered;
	[smem:$0x3FD2] =	sst s25  }
0xaa: {  	s8 =	sshll.u32 s26, $0x1;
	_ =	strace $0x80000046;
	[dreg:$0x1] =	wrdreg $0xFFFFFFFF  }
0xab: {  	s28 =	simm.s32 $_size_execute0_lowered;
	s7 =	sadd.s32 s7, s8;
	[dreg:$0x0] =	wrdreg $0x0  }
0xac: {  	s8 =	sshll.u32 s28, $0x1;
	[dreg:$0x2] =	wrdreg s7  }
0xad: {  	[dreg:$0x3] =	wrdreg s8  }
0xae: {  	[dreg:$0x4] =	wrdreg $0xC0  }
0xaf: {  	_ =	task [dreg:s11], $0x5FFFF  }
0xb0: {  	[dreg:$0x1] =	wrdreg $0xFFFFFFFF  }
0xb1: {  	[dreg:$0x0] =	wrdreg $0x60  }
0xb2: {  	[dreg:$0x2] =	wrdreg s2  }
0xb3: {  	[dreg:$0x3] =	wrdreg s19  }
0xb4: {  	[dreg:$0x4] =	wrdreg s4  }
0xb5: {  	[dreg:$0x5] =	wrdreg s5  }
0xb6: {  	[dreg:$0x6] =	wrdreg s6  }
0xb7: {  	[dreg:$0x7] =	wrdreg $0x9  }
0xb8: {  	_ =	task.clear_ibuf [dreg:s11], $0x8FFFF;
	_ =	strace $0x90000046  }
0xb9: {  	s29 =	simm.s32 $0x9;
	_ =	strace $0x80000048  }
0xba: {  	_ =	swait.ge [sflag:s29], $0x1  }
0xbb: {  	[sflag:s29] =	ssyncadd.s32 $0xFFFFFFFF  }
0xbc: {  	_ =	strace $0x90000048  }
0xbd: {  	_ =	sfence  }
0xbe: {  	s30 =	sld [smem:$0x0];
	_ =	sdelay $0x2  }
0xbf: {  	s31 =	sshll.u32 s1, $0xD;
	s1 =	sshrl.u32 s1, $0x2  }
0xc0: {  	s3 =	sand.u32 $0x4000, s31;
	s1 =	sadd.s32 s1, s30  }
0xc1: {  	s0 =	sor.u32 s3, s0;
	s1 =	sshll.u32 s1, $0x11  }
0xc2: {  	s0 =	sor.u32 s1, s0  }
0xc3: {  	s0 =	sadd.s32 $0x8F2B, s0  }
0xc4: {  	[sflag:s0] =	ssyncadd.remote.s32 $0x1  }
0xc5: {  	_ =	sfence.sel $0xFFFF  }
0xc6: {  	[dreg:$0x0] =	wrdreg $0xFFFFFFFF;
	(pc) =	sbr.abs _section_cstart, $3  }
0xc7: {  	[dreg:$0x1] =	wrdreg $0xFFFFFFFF  }
0xc8: {  	_ =	task.clear_ibuf [dreg:s11], $0x2FFFF;
	_ =	strace $0x9FFFFFFF  }
0xc9: {  	(tm) =	ssettm $0x7FFFFFFF  }
tec
execute0_lowered:
.L_overlay_start_1:
0x0: {  	(tag) =	ssettag $0x1  }
0x1: {  	s0 =	srdreg.scid  }
0x2: {  	s5 =	stileid.u32;
	s3 =	rddreg [dreg:$0x2]  }
0x3: {  	s7 =	simm.s32 $0x1;
	s17 =	simm.s32 $0x80;
	s18 =	simm.s32 $0x400  }
0x4: {  	s19 =	simm.s32 $0x4;
	s20 =	simm.s32 $0x10000;
	s21 =	simm.s32 $0x13880  }
0x5: {  	s22 =	simm.s32 $0x17100;
	s23 =	simm.s32 $0x11C00;
	s0 =	sand.u32 $0x1, s0  }
0x6: {  	s24 =	simm.s32 $0x15480;
	s25 =	simm.s32 $0x18D00;
	s1 =	sshll.u32 s0, $0x4  }
0x7: {  	s26 =	simm.s32 $0x8000;
	s2 =	sand.u32 $0x3, s5;
	s4 =	sor.u32 s5, s1  }
0x8: {  	s28 =	simm.s32 $0x2;
	p1 =	sne.s32 s2, $0x0;
	p0 =	seq.s32 s4, $0x0  }
0x9: {  	s2 =	rddreg [dreg:$0x1];
	s0 =	ssub.s32 $0x2, s0;
	p0 =	por !p1, !p0  }
0xa: {  	s1 =	rddreg [dreg:$0x0];
	s10 =	sshrl.u32 s0, $0x1;
	p0 =	por !p0, !p0  }
0xb: {  	s4 =	sshrl.u32 s4, $0x2;
	s0 =	ssub.s32 s0, s10;
	s7 =	simm.s32 @!p0 $0x0  }
0xc: {  	s10 =	sshll.u32 s5, $0x14;
	s5 =	simm.s32 $0x0;
	s4 =	ssub.s32 s4, s7  }
0xd: {  	s0 =	smax.u32 s0, $0x1;
	s7 =	simm.s32 $0x0;
	s8 =	sshrl.u32 s4, $0x3  }
0xe: {  	s9 =	sshll.u32 s4, $0x7;
	[smem:$0x7FF] =	sst s7;
	s8 =	smul.u32 $0x150000, s8  }
0xf: {  	s9 =	sand.u32 $0x380, s9;
	_ =	strace $0x80000047;
	[dreg:$0x6] =	wrdreg s0  }
0x10: {  	s15 =	sor.u32 s9, s8;
	s8 =	simm.s32 $0x1;
	s9 =	sshll.u32 s4, $0x16  }
0x11: {  	s13 =	sshrl.u32 s15, $0x3;
	s14 =	sor.u32 $0xE000, s15;
	s15 =	sadd.s32 $0x1C000, s15  }
0x12: {  	v0 =	vimm.f32 $0.0e+00;
	s11 =	sadd.s32 s1, s13;
	s12 =	sadd.s32 s2, s13;
	s13 =	sadd.s32 s3, s13  }
.LBB2_1:
0x13: {  	[dreg:$0x7] =	wrdreg s5;
	s31 =	simm.s32 $0x0  }
.LBB2_2:
0x14: {  	s0 =	sshll.u32 s31, $0xF  }
0x15: {  	s0 =	sadd.s32 s10, s0  }
0x16: {  	s4 =	sshll.u32 s31, $0x7;
	s0 =	sand.u32 $0x3C0000, s0  }
0x17: {  	s4 =	sand.u32 $0x380, s4;
	s0 =	sor.u32 s9, s0  }
0x18: {  	s0 =	sor.u32 s4, s0  }
0x19: {  	s30 =	rddreg [dreg:$0x3];
	s4 =	sshrl.u32 s0, $0x3  }
0x1a: {  	s0 =	sadd.s32 s30, s4  }
0x1b: {  	[tilespmem:s7], [sflag:$0x4] =	stream.strided.gather [hbm4b:s0+s17], $0x8000, s18, s17, $0x38;
	[tilespmem:$0x1A980] =	vst v63  }
0x1c: {  	_ =	swait.ge [sflag:s19], $0x8000  }
0x1d: {  	[sflag:s19] =	ssyncset.done $0x0  }
0x1e: {  	[sflag:s19] =	ssyncadd.s32 $0xFFFF8000  }
0x1f: {  	[tilespmem:s20], [sflag:$0x1] =	stream.strided.gather [hbm4b:s11+s17], $0x1C00, s18, s17, $0x38;
	[tilespmem:$0x1A980] =	vst v63  }
0x20: {  	p0 =	seq.s32 s31, $0x0  }
0x21: {  	[tilespmem:s21], [sflag:$0x1] =	stream.strided.gather [hbm4b:s12+s17], $0x1C00, s18, s17, $0x38;
	[tilespmem:$0x1A980] =	vst v63  }
0x22: {  	s0 =	simm.s32 @!p0 $0x3  }
0x23: {  	[tilespmem:s22], [sflag:$0x1] =	stream.strided.gather [hbm4b:s13+s17], $0x1C00, s18, s17, $0x38;
	[tilespmem:$0x1A980] =	vst v63  }
0x24: {  	_ =	swait.ge @!p0 [sflag:s0], $0x8000  }
0x25: {  	s29 =	simm.s32 $0x100;
	[sflag:s0] =	ssyncset.done @!p0 $0x0  }
0x26: {  	s16 =	simm.s32 $0x0;
	[sflag:s0] =	ssyncadd.s32 @!p0 $0xFFFF8000;
	s0 =	simm.s32 $0x0  }
.LBB2_3:
0x27: {  	p0 =	sne.s32 s29, $0x1FF00;
	[tilespmem:s16+$0x8030] =	vst v0;
	s30 =	smov.u32 s29;
	s29 =	sadd.s32 $0x100, s29  }
.Ltmp0:
0x28: {  	[tilespmem:s16+$0x8020] =	vst v0;
	(pc) =	sbr.rel @p0 .LBB2_3-.Ltmp0, $3  }
0x29: {  	[tilespmem:s16+$0x8000] =	vst v0  }
0x2a: {  	[tilespmem:s16+$0x8010] =	vst v0;
	_ =	sdelay $0x1  }
0x2b: {  	s16 =	sshra.s32 s30, $0x2  }
0x2c: {  	[tilespmem:s16+$0x8030] =	vst v0  }
0x2d: {  	[tilespmem:s16+$0x8020] =	vst v0  }
0x2e: {  	[tilespmem:s16+$0x8000] =	vst v0  }
0x2f: {  	[tilespmem:s16+$0x8010] =	vst v0  }
.LBB2_5:
0x30: {  	s16 =	smul.u32 $0x1C000, s0;
	_ =	sdelay $0x1  }
0x31: {  	s29 =	sadd.s32 s16, s14  }
0x32: {  	s29 =	sshrl.u32 s29, $0x3  }
0x33: {  	s30 =	sadd.s32 s1, s29  }
0x34: {  	[tilespmem:s23], [sflag:$0x2] =	stream.strided.gather [hbm4b:s30+s17], $0x1C00, s18, s17, $0x38;
	[tilespmem:$0x1A980] =	vst v63  }
0x35: {  	s30 =	sadd.s32 s2, s29  }
0x36: {  	[tilespmem:s24], [sflag:$0x2] =	stream.strided.gather [hbm4b:s30+s17], $0x1C00, s18, s17, $0x38;
	[tilespmem:$0x1A980] =	vst v63  }
0x37: {  	s29 =	sadd.s32 s3, s29  }
0x38: {  	[tilespmem:s25], [sflag:$0x2] =	stream.strided.gather [hbm4b:s29+s17], $0x1C00, s18, s17, $0x38;
	[tilespmem:$0x1A980] =	vst v63  }
0x39: {  	_ =	swait.ge [sflag:s8], $0x1C00  }
0x3a: {  	[sflag:s8] =	ssyncset.done $0x0  }
0x3b: {  	[sflag:s8] =	ssyncadd.s32 $0xFFFFE400  }
0x3c: {  	_ =	swait.ge [sflag:s8], $0x1C00  }
0x3d: {  	[sflag:s8] =	ssyncset.done $0x0  }
0x3e: {  	[sflag:s8] =	ssyncadd.s32 $0xFFFFE400  }
0x3f: {  	_ =	swait.ge [sflag:s8], $0x1C00  }
0x40: {  	[sflag:s8] =	ssyncset.done $0x0  }
0x41: {  	[sflag:s8] =	ssyncadd.s32 $0xFFFFE400  }
0x42: {  	v3 =	vld [tilespmem:$0x13880];
	_ =	sdelay $0x4  }
0x43: {  	v2 =	vor.u32 $0x7000, v3  }
0x44: {  	v5 =	vor.u32 $0x5000, v3  }
0x45: {  	v4 =	vld [tilespmem:$0x10000];
	v6 =	vor.u32 $0x1000, v3  }
0x46: {  	v1 =	vld [tilespmem:$0x17100];
	v7 =	vor.u32 $0x2000, v3  }
0x47: {  	v11 =	vld.idx.msk [tilespmem:v3+s7+$0x0], $0xffff  }
0x48: {  	v8 =	vor.u32 $0x3000, v3;
	v2 =	vld.idx.msk [tilespmem:v2+s7+$0x0], $0xffff  }
0x49: {  	v9 =	vor.u32 $0x4000, v3;
	v5 =	vld.idx.msk [tilespmem:v5+s7+$0x0], $0xffff  }
0x4a: {  	v15 =	vld.idx.msk [tilespmem:v6+s7+$0x0], $0xffff  }
0x4b: {  	s30 =	simm.s32 $0x10;
	v18 =	vor.u32 $0x6000, v3;
	v16 =	vld.idx.msk [tilespmem:v7+s7+$0x0], $0xffff  }
0x4c: {  	v6 =	vld [tilespmem:s30+$0x13880]  }
0x4d: {  	v12 =	vld.idx.msk [tilespmem:v8+s7+$0x0], $0xffff  }
0x4e: {  	v14 =	vor.u32 $0x1000, v4;
	v13 =	vor.u32 $0x2000, v4;
	v10 =	vld.idx.msk [tilespmem:v9+s7+$0x0], $0xffff  }
0x4f: {  	v3 =	vor.u32 $0x4000, v4;
	v7 =	vld [tilespmem:s30+$0x10000];
	v8 =	vor.u32 $0x7000, v4;
	v9 =	vor.u32 $0x6000, v4  }
0x50: {  	s29 =	simm.s32 $0x80;
	v17 =	vmul.f32 v11, v1;
	v11 =	vld.idx.msk [tilespmem:v18+s7+$0x0], $0xffff;
	v18 =	vmul.f32 v15, v1;
	v15 =	vor.u32 $0x3000, v4  }
.LBB2_6:
0x51: {  	v19 =	vor.u32 $0x1000, v6;
	v20 =	vor.u32 $0x5000, v6;
	p0 =	sne.s32 s29, $0x7000;
	v21 =	vld [tilespmem:s30+$0x17100];
	v16 =	vmul.f32 v16, v1;
	s30 =	smov.u32 s29;
	s29 =	sadd.s32 $0x40, s29  }
0x52: {  	v22 =	vor.u32 $0x2000, v6;
	v23 =	vor.u32 $0x6000, v6;
	[tilespmem:v4+s26+$0x0] =	vst.idx.add.f32.msk $0xffff, v17;
	v17 =	vor.u32 $0x5000, v4  }
0x53: {  	v24 =	vor.u32 $0x3000, v6;
	v25 =	vor.u32 $0x7000, v6;
	v12 =	vmul.f32 v12, v1;
	[tilespmem:v14+s26+$0x0] =	vst.idx.add.f32.msk $0xffff, v18  }
0x54: {  	s30 =	sshra.s32 s30, $0x2;
	v14 =	vor.u32 $0x4000, v6;
	v10 =	vmul.f32 v10, v1;
	v18 =	vor.u32 $0x4000, v7;
	[tilespmem:v13+s26+$0x0] =	vst.idx.add.f32.msk $0xffff, v16;
	v4 =	vmovc v7  }
0x55: {  	v5 =	vmul.f32 v5, v1;
	[tilespmem:v15+s26+$0x0] =	vst.idx.add.f32.msk $0xffff, v12  }
0x56: {  	v11 =	vmul.f32 v11, v1;
	[tilespmem:v3+s26+$0x0] =	vst.idx.add.f32.msk $0xffff, v10;
	v3 =	vmov v18  }
0x57: {  	v2 =	vmul.f32 v2, v1;
	v1 =	vmov v21;
	[tilespmem:v17+s26+$0x0] =	vst.idx.add.f32.msk $0xffff, v5  }
0x58: {  	[tilespmem:v9+s26+$0x0] =	vst.idx.add.f32.msk $0xffff, v11  }
0x59: {  	[tilespmem:v8+s26+$0x0] =	vst.idx.add.f32.msk $0xffff, v2  }
0x5a: {  	v2 =	vld.idx.msk [tilespmem:v25+s7+$0x0], $0xffff  }
0x5b: {  	v5 =	vld.idx.msk [tilespmem:v20+s7+$0x0], $0xffff  }
0x5c: {  	v8 =	vld.idx.msk [tilespmem:v6+s7+$0x0], $0xffff  }
0x5d: {  	v9 =	vld.idx.msk [tilespmem:v19+s7+$0x0], $0xffff  }
0x5e: {  	v16 =	vld.idx.msk [tilespmem:v22+s7+$0x0], $0xffff  }
.Ltmp1:
0x5f: {  	v6 =	vld [tilespmem:s30+$0x13880];
	(pc) =	sbr.rel @p0 .LBB2_6-.Ltmp1, $4  }
0x60: {  	v12 =	vld.idx.msk [tilespmem:v24+s7+$0x0], $0xffff  }
0x61: {  	v10 =	vld.idx.msk [tilespmem:v14+s7+$0x0], $0xffff;
	v14 =	vor.u32 $0x1000, v7  }
0x62: {  	v13 =	vor.u32 $0x2000, v4;
	v17 =	vmul.f32 v8, v21;
	v8 =	vor.u32 $0x7000, v4;
	v7 =	vld [tilespmem:s30+$0x10000]  }
0x63: {  	v15 =	vor.u32 $0x3000, v4;
	v18 =	vmul.f32 v9, v21;
	v9 =	vor.u32 $0x6000, v4;
	v11 =	vld.idx.msk [tilespmem:v23+s7+$0x0], $0xffff  }
0x64: {  	_ =	sdelay $0x3  }
0x65: {  	v6 =	vmul.f32 v16, v1;
	[tilespmem:v4+s26+$0x0] =	vst.idx.add.f32.msk $0xffff, v17;
	v4 =	vor.u32 $0x5000, v4  }
0x66: {  	v7 =	vmul.f32 v12, v1;
	[tilespmem:v14+s26+$0x0] =	vst.idx.add.f32.msk $0xffff, v18  }
0x67: {  	v10 =	vmul.f32 v10, v1;
	[tilespmem:v13+s26+$0x0] =	vst.idx.add.f32.msk $0xffff, v6  }
0x68: {  	v5 =	vmul.f32 v5, v1;
	[tilespmem:v15+s26+$0x0] =	vst.idx.add.f32.msk $0xffff, v7  }
0x69: {  	p0 =	seq.s32 s0, $0xB;
	v6 =	vmul.f32 v11, v1;
	[tilespmem:v3+s26+$0x0] =	vst.idx.add.f32.msk $0xffff, v10  }
0x6a: {  	s16 =	sadd.s32 @!p0 s16, s15;
	v1 =	vmul.f32 v2, v1;
	[tilespmem:v4+s26+$0x0] =	vst.idx.add.f32.msk $0xffff, v5  }
0x6b: {  	s30 =	simm.s32 @!p0 $0x80;
	s16 =	sshrl.u32 @!p0 s16, $0x3;
	[tilespmem:v9+s26+$0x0] =	vst.idx.add.f32.msk $0xffff, v6  }
0x6c: {  	s5 =	simm.s32 @!p0 $0x400;
	s6 =	simm.s32 @!p0 $0x10000;
	s29 =	sadd.s32 @!p0 s1, s16;
	[tilespmem:v8+s26+$0x0] =	vst.idx.add.f32.msk $0xffff, v1  }
0x6d: {  	[tilespmem:s6], [sflag:$0x1] =	stream.strided.gather @!p0 [hbm4b:s29+s30], $0x1C00, s5, s30, $0x38;
	[tilespmem:$0x1A980] =	vst v63  }
0x6e: {  	s6 =	sadd.s32 @!p0 s2, s16;
	s29 =	simm.s32 @!p0 $0x13880  }
0x6f: {  	[tilespmem:s29], [sflag:$0x1] =	stream.strided.gather @!p0 [hbm4b:s6+s30], $0x1C00, s5, s30, $0x38;
	[tilespmem:$0x1A980] =	vst v63  }
0x70: {  	s6 =	sadd.s32 @!p0 s3, s16;
	s16 =	simm.s32 @!p0 $0x17100  }
0x71: {  	[tilespmem:s16], [sflag:$0x1] =	stream.strided.gather @!p0 [hbm4b:s6+s30], $0x1C00, s5, s30, $0x38;
	[tilespmem:$0x1A980] =	vst v63  }
0x72: {  	_ =	swait.ge [sflag:s28], $0x1C00  }
0x73: {  	[sflag:s28] =	ssyncset.done $0x0  }
0x74: {  	[sflag:s28] =	ssyncadd.s32 $0xFFFFE400  }
0x75: {  	_ =	swait.ge [sflag:s28], $0x1C00  }
0x76: {  	[sflag:s28] =	ssyncset.done $0x0  }
0x77: {  	[sflag:s28] =	ssyncadd.s32 $0xFFFFE400  }
0x78: {  	_ =	swait.ge [sflag:s28], $0x1C00  }
0x79: {  	[sflag:s28] =	ssyncset.done $0x0  }
0x7a: {  	[sflag:s28] =	ssyncadd.s32 $0xFFFFE400  }
0x7b: {  	v3 =	vld [tilespmem:$0x15480];
	_ =	sdelay $0x4  }
0x7c: {  	v2 =	vor.u32 $0x7000, v3  }
0x7d: {  	v5 =	vor.u32 $0x5000, v3  }
0x7e: {  	v4 =	vld [tilespmem:$0x11C00];
	v6 =	vor.u32 $0x1000, v3  }
0x7f: {  	v1 =	vld [tilespmem:$0x18D00];
	v7 =	vor.u32 $0x2000, v3  }
0x80: {  	v12 =	vld.idx.msk [tilespmem:v3+s7+$0x0], $0xffff  }
0x81: {  	v8 =	vor.u32 $0x3000, v3;
	v2 =	vld.idx.msk [tilespmem:v2+s7+$0x0], $0xffff  }
0x82: {  	v9 =	vor.u32 $0x4000, v3;
	v5 =	vld.idx.msk [tilespmem:v5+s7+$0x0], $0xffff  }
0x83: {  	v15 =	vld.idx.msk [tilespmem:v6+s7+$0x0], $0xffff  }
0x84: {  	s29 =	simm.s32 $0x0;
	v18 =	vor.u32 $0x6000, v3;
	v16 =	vld.idx.msk [tilespmem:v7+s7+$0x0], $0xffff  }
0x85: {  	v6 =	vld [tilespmem:s29+$0x15490]  }
0x86: {  	v11 =	vld.idx.msk [tilespmem:v8+s7+$0x0], $0xffff  }
0x87: {  	v14 =	vor.u32 $0x1000, v4;
	v13 =	vor.u32 $0x2000, v4;
	v10 =	vld.idx.msk [tilespmem:v9+s7+$0x0], $0xffff  }
0x88: {  	v3 =	vor.u32 $0x4000, v4;
	v7 =	vld [tilespmem:s29+$0x11C10];
	v8 =	vor.u32 $0x7000, v4;
	v9 =	vor.u32 $0x6000, v4  }
0x89: {  	s16 =	simm.s32 $0x40;
	v17 =	vmul.f32 v12, v1;
	v12 =	vld.idx.msk [tilespmem:v18+s7+$0x0], $0xffff;
	v18 =	vmul.f32 v15, v1;
	v15 =	vor.u32 $0x3000, v4  }
.LBB2_8:
0x8a: {  	v19 =	vor.u32 $0x1000, v6;
	v20 =	vor.u32 $0x5000, v6;
	p0 =	sne.s32 s16, $0x6FC0;
	v21 =	vld [tilespmem:s29+$0x18D10];
	v16 =	vmul.f32 v16, v1;
	s5 =	smov.u32 s16;
	s16 =	sadd.s32 $0x40, s16  }
0x8b: {  	v22 =	vor.u32 $0x2000, v6;
	v23 =	vor.u32 $0x6000, v6;
	[tilespmem:v4+s26+$0x0] =	vst.idx.add.f32.msk $0xffff, v17;
	v17 =	vor.u32 $0x5000, v4  }
0x8c: {  	v24 =	vor.u32 $0x3000, v6;
	v25 =	vor.u32 $0x7000, v6;
	v11 =	vmul.f32 v11, v1;
	[tilespmem:v14+s26+$0x0] =	vst.idx.add.f32.msk $0xffff, v18  }
0x8d: {  	s29 =	sshra.s32 s5, $0x2;
	v14 =	vor.u32 $0x4000, v6;
	v10 =	vmul.f32 v10, v1;
	v18 =	vor.u32 $0x4000, v7;
	[tilespmem:v13+s26+$0x0] =	vst.idx.add.f32.msk $0xffff, v16;
	v4 =	vmovc v7  }
0x8e: {  	v5 =	vmul.f32 v5, v1;
	[tilespmem:v15+s26+$0x0] =	vst.idx.add.f32.msk $0xffff, v11  }
0x8f: {  	v11 =	vmul.f32 v12, v1;
	[tilespmem:v3+s26+$0x0] =	vst.idx.add.f32.msk $0xffff, v10;
	v3 =	vmov v18  }
0x90: {  	v2 =	vmul.f32 v2, v1;
	v1 =	vmov v21;
	[tilespmem:v17+s26+$0x0] =	vst.idx.add.f32.msk $0xffff, v5  }
0x91: {  	[tilespmem:v9+s26+$0x0] =	vst.idx.add.f32.msk $0xffff, v11  }
0x92: {  	[tilespmem:v8+s26+$0x0] =	vst.idx.add.f32.msk $0xffff, v2  }
0x93: {  	v2 =	vld.idx.msk [tilespmem:v25+s7+$0x0], $0xffff  }
0x94: {  	v5 =	vld.idx.msk [tilespmem:v20+s7+$0x0], $0xffff  }
0x95: {  	v8 =	vld.idx.msk [tilespmem:v6+s7+$0x0], $0xffff  }
0x96: {  	v9 =	vld.idx.msk [tilespmem:v19+s7+$0x0], $0xffff  }
0x97: {  	v16 =	vld.idx.msk [tilespmem:v22+s7+$0x0], $0xffff  }
.Ltmp2:
0x98: {  	v6 =	vld [tilespmem:s29+$0x15490];
	(pc) =	sbr.rel @p0 .LBB2_8-.Ltmp2, $4  }
0x99: {  	v11 =	vld.idx.msk [tilespmem:v24+s7+$0x0], $0xffff  }
0x9a: {  	v10 =	vld.idx.msk [tilespmem:v14+s7+$0x0], $0xffff;
	v14 =	vor.u32 $0x1000, v7  }
0x9b: {  	v13 =	vor.u32 $0x2000, v4;
	v17 =	vmul.f32 v8, v21;
	v8 =	vor.u32 $0x7000, v4;
	v7 =	vld [tilespmem:s29+$0x11C10]  }
0x9c: {  	v15 =	vor.u32 $0x3000, v4;
	v18 =	vmul.f32 v9, v21;
	v9 =	vor.u32 $0x6000, v4;
	v12 =	vld.idx.msk [tilespmem:v23+s7+$0x0], $0xffff  }
0x9d: {  	_ =	sdelay $0x3  }
0x9e: {  	v6 =	vmul.f32 v16, v1;
	[tilespmem:v4+s26+$0x0] =	vst.idx.add.f32.msk $0xffff, v17;
	v62 =	vor.u32 $0x5000, v4  }
0x9f: {  	s0 =	sadd.s32 $0x1, s0;
	v7 =	vmul.f32 v11, v1;
	[tilespmem:v14+s26+$0x0] =	vst.idx.add.f32.msk $0xffff, v18  }
0xa0: {  	p0 =	sne.s32 s0, $0xC;
	v10 =	vmul.f32 v10, v1;
	[tilespmem:v13+s26+$0x0] =	vst.idx.add.f32.msk $0xffff, v6  }
.Ltmp3:
0xa1: {  	v5 =	vmul.f32 v5, v1;
	[tilespmem:v15+s26+$0x0] =	vst.idx.add.f32.msk $0xffff, v7;
	(pc) =	sbr.rel @p0 .LBB2_5-.Ltmp3, $4  }
0xa2: {  	v63 =	vmul.f32 v12, v1;
	[tilespmem:v3+s26+$0x0] =	vst.idx.add.f32.msk $0xffff, v10  }
0xa3: {  	v1 =	vmul.f32 v2, v1;
	[tilespmem:v62+s26+$0x0] =	vst.idx.add.f32.msk $0xffff, v5  }
0xa4: {  	[tilespmem:v9+s26+$0x0] =	vst.idx.add.f32.msk $0xffff, v63  }
0xa5: {  	[tilespmem:v8+s26+$0x0] =	vst.idx.add.f32.msk $0xffff, v1  }
0xa6: {  	s31 =	sadd.s32 $0x1, s31  }
0xa7: {  	p0 =	sne.s32 s31, $0x20  }
.Ltmp4:
0xa8: {  	_ = 	snop;
	(pc) =	sbr.rel @p0 .LBB2_2-.Ltmp4, $4  }
0xa9: {  	_ = 	snop  }
0xaa: {  	s0 =	rddreg [dreg:$0x4]  }
0xab: {  	s0 =	sadd.s32 s0, s4  }
0xac: {  	[hbm4b:s0+s17] =	stream.strided.scatter [tilespmem:s26], [sflag:$0x3], $0x8000, s18, s17, $0x38;
	[tilespmem:$0x1A980] =	vst v63  }
0xad: {  	s4 =	simm.s32 $0x3  }
0xae: {  	_ =	swait.ge [sflag:s4], $0x8000  }
0xaf: {  	s5 =	rddreg [dreg:$0x7]  }
0xb0: {  	s0 =	rddreg [dreg:$0x6];
	s5 =	sadd.s32 $0x1, s5  }
0xb1: {  	p0 =	sne.s32 s5, s0  }
.Ltmp5:
0xb2: {  	_ = 	snop;
	(pc) =	sbr.rel @p0 .LBB2_1-.Ltmp5, $3  }
0xb3: {  	_ =	sdelay $0x1  }
0xb4: {  	[sflag:s4] =	ssyncset.done $0x0  }
0xb5: {  	[sflag:s4] =	ssyncadd.s32 $0xFFFF8000  }
0xb6: {  	_ =	sfence.sel $0x180000  }
0xb7: {  	[bflag:$0x0] =	sbarrier.arrive $0xFFFF  }
0xb8: {  	_ =	strace $0x90000047  }
0xb9: {  	s0 =	stileid.u32;
	[bflag:$0x2] =	sbarrier.arrive $0xFFFF  }
0xba: {  	p0 =	sne.s32 s0, $0x0;
	s0 =	rddreg [dreg:$0x5]  }
0xbb: {  	s0 =	sadd.s32 @!p0 $0x100000, s0  }
0xbc: {  	[sflag:s0] =	ssyncadd.tile.s32 @!p0 $0x1;
	_ =	shalt  }
.Lfunc_end2:
_tile_overlayer_lowered:
.L_overlay_start_2:
0xbd: {  	(tag) =	ssettag $0x2  }
0xbe: {  	s0 =	rddreg [dreg:$0x0];
	s2 =	stileid.u32  }
0xbf: {  	s1 =	rddreg [dreg:$0x1];
	p0 =	sne.s32 s2, $0x0  }
0xc0: {  	s3 =	rddreg [dreg:$0x2];
	[bflag:$0x3] =	sbarrier.arrive $0xFFFF;
	s2 =	simm.s32 @!p0 $0x1C04  }
0xc1: {  	[timem:s3], [sflag:s2] =	dma.local @!p0 [hbm:s0], s1  }
0xc2: {  	s0 =	simm.s32 @!p0 $0x4  }
0xc3: {  	_ =	swait.ge @!p0 [sflag:s0], s1  }
0xc4: {  	s1 =	ssub.s32 @!p0 $0x0, s1;
	[sflag:s0] =	ssyncset.done @!p0 $0x0  }
0xc5: {  	[sflag:s0] =	ssyncadd.s32 @!p0 s1  }
0xc6: {  	[bflag:$0x3] =	sbarrier.arrive $0xFFFF  }
0xc7: {  	_ =	shalt  }

</sc_bundles>
